<compile_context>
chip_gen: v7x
topology: tpu7x:2x2x1
jax: 0.10.2.dev20260603
libtpu: 0.0.44.dev20260713+nightly
codegen_flags: <defaults>
</compile_context>

<pallas_src>
import functools
import math

import jax
import jax.numpy as jnp
from jax import lax
from jax.experimental import pallas as pl
from jax.experimental.pallas import tpu as pltpu
from jax.experimental.pallas import tpu_sc as plsc

B, T, D, MAX_LEN = 4, 8192, 768, 8192
EPS = 1e-5
SCALE = math.sqrt(float(D))
N = B * T

ROWS_BLK = 2048


def _ln_body(pe_ref, w_ref, b_ref, out_ref):
    y = pe_ref[...] * SCALE
    mu = jnp.mean(y, axis=-1, keepdims=True)
    yc = y - mu
    var = jnp.mean(yc * yc, axis=-1, keepdims=True)
    yn = (yc * lax.rsqrt(var + EPS) * w_ref[...]
          + b_ref[...]).astype(jnp.bfloat16)
    lo = lax.bitcast_convert_type(
        yn[:, :D // 2].astype(jnp.float32), jnp.uint32)
    hi = lax.bitcast_convert_type(
        yn[:, D // 2:].astype(jnp.float32), jnp.uint32)
    out_ref[...] = lax.bitcast_convert_type(hi | (lo >> 16), jnp.int32)


def _normalize_table(pe, ln_w, ln_b):
    return pl.pallas_call(
        _ln_body,
        grid=(MAX_LEN // ROWS_BLK,),
        in_specs=[
            pl.BlockSpec((ROWS_BLK, D), lambda i: (i, 0)),
            pl.BlockSpec((1, D), lambda i: (0, 0)),
            pl.BlockSpec((1, D), lambda i: (0, 0)),
        ],
        out_specs=pl.BlockSpec((ROWS_BLK, D // 2), lambda i: (i, 0)),
        out_shape=jax.ShapeDtypeStruct((MAX_LEN, D // 2), jnp.int32),
    )(pe, ln_w.reshape(1, D), ln_b.reshape(1, D))


_NC, _NS = 2, 16
NW = _NC * _NS
RPW = N // NW
CHUNK = 128
NCHUNK = RPW // CHUNK


@functools.cache
def _make_gather():
    mesh = plsc.VectorSubcoreMesh(core_axis_name="c", subcore_axis_name="s",
                                  num_cores=_NC, num_subcores=_NS)

    @functools.partial(
        pl.kernel,
        out_type=jax.ShapeDtypeStruct((N, D // 2), jnp.int32),
        mesh=mesh,
        scratch_types=[
            pltpu.VMEM((NCHUNK, CHUNK), jnp.int32),
            pltpu.VMEM((2, CHUNK, D // 2), jnp.int32),
            pltpu.SemaphoreType.DMA,
            pltpu.SemaphoreType.DMA,
            pltpu.SemaphoreType.DMA,
            pltpu.SemaphoreType.DMA,
        ],
    )
    def gather(table_hbm, idx_hbm, out_hbm, idx_all, gb, sg0, sg1, so0, so1):
        sg, so = (sg0, sg1), (so0, so1)
        wid = lax.axis_index("s") * _NC + lax.axis_index("c")
        base = pl.multiple_of(wid * RPW, CHUNK)

        def row_off(k):
            return pl.multiple_of(base + k * CHUNK, CHUNK)

        def start_g(b, k):
            pltpu.async_copy(table_hbm.at[idx_all.at[k]], gb.at[b], sg[b])

        def wait_g(b, k):
            pltpu.make_async_copy(table_hbm.at[idx_all.at[k]],
                                  gb.at[b], sg[b]).wait()

        def start_out(b, k):
            pltpu.async_copy(gb.at[b], out_hbm.at[pl.ds(row_off(k), CHUNK)],
                             so[b])

        def wait_out(b, k):
            pltpu.make_async_copy(gb.at[b],
                                  out_hbm.at[pl.ds(row_off(k), CHUNK)],
                                  so[b]).wait()

        pltpu.sync_copy(idx_hbm.at[wid], idx_all)
        start_g(0, 0)

        @pl.loop(0, NCHUNK, step=2)
        def pair(k):
            @pl.when(k > 0)
            def _():
                wait_out(1, k - 1)

            start_g(1, k + 1)
            wait_g(0, k)
            start_out(0, k)

            @pl.when(k + 2 < NCHUNK)
            def _():
                wait_out(0, k)
                start_g(0, k + 2)

            wait_g(1, k + 1)
            start_out(1, k + 1)

        wait_out(0, NCHUNK - 2)
        wait_out(1, NCHUNK - 1)

    return gather


ADD_BLK = 2048


def _add_body(x_ref, g_ref, out_ref):
    z = lax.bitcast_convert_type(g_ref[...], jnp.uint32)
    hi = lax.bitcast_convert_type(z & jnp.uint32(0xFFFF0000), jnp.float32)
    lo = lax.bitcast_convert_type(z << 16, jnp.float32)
    out_ref[:, :D // 2] = x_ref[:, :D // 2] + lo
    out_ref[:, D // 2:] = x_ref[:, D // 2:] + hi


def _add(x2d, gathered):
    return pl.pallas_call(
        _add_body,
        grid=(N // ADD_BLK,),
        in_specs=[
            pl.BlockSpec((ADD_BLK, D), lambda i: (i, 0)),
            pl.BlockSpec((ADD_BLK, D // 2), lambda i: (i, 0)),
        ],
        out_specs=pl.BlockSpec((ADD_BLK, D), lambda i: (i, 0)),
        out_shape=jax.ShapeDtypeStruct((N, D), jnp.float32),
    )(x2d, gathered)


def kernel(x, positions, pe, ln_w, ln_b):
    table32 = _normalize_table(pe, ln_w, ln_b)
    idx = positions.reshape(NW, NCHUNK, CHUNK).astype(jnp.int32)
    g32 = _make_gather()(table32, idx)
    out = _add(x.reshape(N, D), g32)
    return out.reshape(B, T, D)

# --- scband reference (transcript-rebuilt; emitter-appended) ---
"""Pipeline reference for scband-learnable-positional-encoding-17635135717695 (READ-ONLY COPY).

The authoritative reference and input builder live on the scoring server;
editing this copy changes nothing except your own understanding.
"""

import math
import jax, jax.numpy as jnp
import numpy as np

B, T, D, MAX_LEN = 4, 8192, 768, 8192
EPS = 1e-5

def _layer_norm(x, w, b):
    mu = jnp.mean(x, axis=-1, keepdims=True)
    var = jnp.var(x, axis=-1, keepdims=True)
    return (x - mu) / jnp.sqrt(var + EPS) * w + b

def setup_inputs(seed: int = 0) -> dict:
    key = jax.random.key(seed)
    k1, k2, k3 = jax.random.split(key, 3)
    x = jax.random.normal(k1, (B, T, D), dtype=jnp.float32)
    positions = jax.random.randint(k2, (B, T), 0, MAX_LEN)
    # learnable PE table, 'normal' init: randn * sqrt(2/d_model) (memory_efficient layout [max_len, d_model])
    pe = jax.random.normal(k3, (MAX_LEN, D), dtype=jnp.float32) * math.sqrt(2.0 / D)
    ln_w = jnp.ones((D,), dtype=jnp.float32)
    ln_b = jnp.zeros((D,), dtype=jnp.float32)
    return {"x": x, "positions": positions, "pe": pe, "ln_w": ln_w, "ln_b": ln_b}

def reference(x, positions, pe, ln_w, ln_b):
    # fixed scale = sqrt(d_model) buffer
    scale = jnp.float32(math.sqrt(D))
    # embedding lookup: F.embedding(positions, self.pe) -> gather rows
    pe_emb = jnp.take(pe, positions, axis=0)  # [B, T, D]
    pe_scaled = pe_emb * scale
    # norm_strategy == 'pre_add': layer-norm the PE before adding to x
    pe_norm = _layer_norm(pe_scaled, ln_w, ln_b)
    out = x + pe_norm
    # dropout=0.0 (eval): identity
    return out

if __name__ == "__main__":
    import jax
    _d = setup_inputs()
    print(jax.jit(kernel)(*tuple(_d.values())))

</pallas_src>

<mosaic_0001>
#map = affine_map<(d0, d1) -> (0, 0)>
#map1 = affine_map<(d0, d1) -> (0, 0, 0)>
module attributes {stable_mosaic.version = 14 : i64} {
  func.func @gather(%arg0: i32, %arg1: i32, %arg2: memref<8192x384xi32, #tpu.memory_space<hbm>>, %arg3: memref<32x8x128xi32, #tpu.memory_space<hbm>>, %arg4: memref<32768x384xi32, #tpu.memory_space<hbm>>, %arg5: memref<8x128xi32, #tpu.memory_space<vmem>>, %arg6: memref<2x128x384xi32, #tpu.memory_space<vmem>>, %arg7: memref<!tpu.dma_semaphore, #tpu.memory_space<semaphore_mem>>, %arg8: memref<!tpu.dma_semaphore, #tpu.memory_space<semaphore_mem>>, %arg9: memref<!tpu.dma_semaphore, #tpu.memory_space<semaphore_mem>>, %arg10: memref<!tpu.dma_semaphore, #tpu.memory_space<semaphore_mem>>) attributes {dimension_semantics = [#tpu.dimension_semantics<core_parallel>, #tpu.dimension_semantics<subcore_parallel>], iteration_bounds = array<i64: 2, 16>, scalar_prefetch = 0 : i64, scratch_operands = 6 : i64, tpu.core_type = #tpu.core_type<sc_vector_subcore>, window_params = [{transform_indices = #map}, {transform_indices = #map1}, {transform_indices = #map}]} {
    %mul3A = arith.constant 2 : i32
    %mul3A_0 = arith.muli %arg1, %mul3A : i32
    %add3A = arith.addi %mul3A_0, %arg0 : i32
    %mul3A_1 = arith.constant 1024 : i32
    %mul3A_2 = arith.muli %add3A, %mul3A_1 : i32
    %multiple_of3A = tpu.assume_multiple %mul3A_2, 128 : i32
    "tpu.region"() ({
      %run_scoped3A = tpu.sem_alloc : memref<!tpu.dma_semaphore, #tpu.memory_space<semaphore_mem>>
      %dma_start3A_49 = arith.constant 0 : i32
      %dma_start3A_50 = arith.constant 0 : i32
      %dma_start3A_51 = tpu.memref_slice %arg3[%add3A, %dma_start3A_49, %dma_start3A_50] : memref<32x8x128xi32, #tpu.memory_space<hbm>> -> memref<1x8x128xi32, #tpu.memory_space<hbm>>
      %dma_start3A_52 = tpu.memref_squeeze %dma_start3A_51 : memref<1x8x128xi32, #tpu.memory_space<hbm>> -> memref<8x128xi32, #tpu.memory_space<hbm>>
      %dma_start3A_53 = arith.constant 0 : i32
      %dma_start3A_54 = arith.constant 0 : i32
      %dma_start3A_55 = tpu.memref_slice %arg3[%add3A, %dma_start3A_53, %dma_start3A_54] : memref<32x8x128xi32, #tpu.memory_space<hbm>> -> memref<1x8x128xi32, #tpu.memory_space<hbm>>
      %dma_start3A_56 = tpu.memref_squeeze %dma_start3A_55 : memref<1x8x128xi32, #tpu.memory_space<hbm>> -> memref<8x128xi32, #tpu.memory_space<hbm>>
      tpu.enqueue_dma source(%dma_start3A_56 : memref<8x128xi32, #tpu.memory_space<hbm>>) target(%arg5 : memref<8x128xi32, #tpu.memory_space<vmem>>) target_semaphore(%run_scoped3A : memref<!tpu.dma_semaphore, #tpu.memory_space<semaphore_mem>>)
      %dma_wait3A_57 = arith.constant 0 : i32
      %dma_wait3A_58 = arith.constant 0 : i32
      %dma_wait3A_59 = tpu.memref_slice %arg3[%add3A, %dma_wait3A_57, %dma_wait3A_58] : memref<32x8x128xi32, #tpu.memory_space<hbm>> -> memref<1x8x128xi32, #tpu.memory_space<hbm>>
      %dma_wait3A_60 = tpu.memref_squeeze %dma_wait3A_59 : memref<1x8x128xi32, #tpu.memory_space<hbm>> -> memref<8x128xi32, #tpu.memory_space<hbm>>
      %dma_wait3A_61 = arith.constant 0 : i32
      %dma_wait3A_62 = arith.constant 0 : i32
      %dma_wait3A_63 = tpu.memref_slice %arg3[%add3A, %dma_wait3A_61, %dma_wait3A_62] : memref<32x8x128xi32, #tpu.memory_space<hbm>> -> memref<1x8x128xi32, #tpu.memory_space<hbm>>
      %dma_wait3A_64 = tpu.memref_squeeze %dma_wait3A_63 : memref<1x8x128xi32, #tpu.memory_space<hbm>> -> memref<8x128xi32, #tpu.memory_space<hbm>>
      tpu.wait_dma2 semaphore(%run_scoped3A : memref<!tpu.dma_semaphore, #tpu.memory_space<semaphore_mem>>) src(%dma_wait3A_64 : memref<8x128xi32, #tpu.memory_space<hbm>>) dst(%arg5 : memref<8x128xi32, #tpu.memory_space<vmem>>)
      tpu.yield
    }) : () -> ()
    %dma_start3A = arith.constant 0 : i32
    %dma_start3A_3 = arith.constant 0 : i32
    %dma_start3A_4 = arith.constant 0 : i32
    %dma_start3A_5 = arith.constant 0 : i32
    %dma_start3A_6 = tpu.memref_slice %arg6[%dma_start3A_3, %dma_start3A_4, %dma_start3A_5] : memref<2x128x384xi32, #tpu.memory_space<vmem>> -> memref<1x128x384xi32, #tpu.memory_space<vmem>>
    %dma_start3A_7 = tpu.memref_squeeze %dma_start3A_6 : memref<1x128x384xi32, #tpu.memory_space<vmem>> -> memref<128x384xi32, #tpu.memory_space<vmem>>
    %dma_start3A_8 = arith.constant 0 : i32
    %dma_start3A_9 = tpu.memref_slice %arg5[%dma_start3A, %dma_start3A_8] : memref<8x128xi32, #tpu.memory_space<vmem>> -> memref<1x128xi32, #tpu.memory_space<vmem>>
    %dma_start3A_10 = tpu.memref_squeeze %dma_start3A_9 : memref<1x128xi32, #tpu.memory_space<vmem>> -> memref<128xi32, #tpu.memory_space<vmem>>
    %dma_start3A_11 = arith.constant 0 : i32
    %dma_start3A_12 = arith.constant 0 : i32
    %dma_start3A_13 = tpu.memref_slice %arg2[%dma_start3A_11, %dma_start3A_12] : memref<8192x384xi32, #tpu.memory_space<hbm>> -> memref<8192x384xi32, #tpu.memory_space<hbm>>
    tpu.enqueue_indirect_dma source(%dma_start3A_13 : memref<8192x384xi32, #tpu.memory_space<hbm>>) target(%dma_start3A_7 : memref<128x384xi32, #tpu.memory_space<vmem>>) offsets(%dma_start3A_10 : memref<128xi32, #tpu.memory_space<vmem>>) semaphore(%arg7 : memref<!tpu.dma_semaphore, #tpu.memory_space<semaphore_mem>>)
    %scan3A = arith.constant 0 : i32
    %scan3A_14 = arith.constant 4 : i32
    %scan3A_15 = arith.addi %scan3A, %scan3A_14 : i32
    %scan3A_16 = arith.constant 1 : i32
    scf.for %scan3A_49 = %scan3A to %scan3A_15 step %scan3A_16  : i32 {
      %mul3A_50 = arith.constant 2 : i32
      %mul3A_51 = arith.muli %scan3A_49, %mul3A_50 : i32
      %add3A_52 = arith.constant 0 : i32
      %add3A_53 = arith.addi %add3A_52, %mul3A_51 : i32
      %gt3A = arith.constant 0 : i32
      %gt3A_54 = arith.cmpi sgt, %add3A_53, %gt3A : i32
      %convert_element_type3A = arith.extui %gt3A_54 : i1 to i32
      %cond3A = arith.constant 0 : i32
      %cond3A_55 = arith.cmpi ne, %convert_element_type3A, %cond3A : i32
      scf.if %cond3A_55 {
        %sub3A = arith.constant 1 : i32
        %sub3A_135 = arith.subi %add3A_53, %sub3A : i32
        %mul3A_136 = arith.constant 128 : i32
        %mul3A_137 = arith.muli %sub3A_135, %mul3A_136 : i32
        %add3A_138 = arith.addi %multiple_of3A, %mul3A_137 : i32
        %multiple_of3A_139 = tpu.assume_multiple %add3A_138, 128 : i32
        %dma_wait3A_140 = arith.constant 1 : i32
        %dma_wait3A_141 = arith.constant 0 : i32
        %dma_wait3A_142 = arith.constant 0 : i32
        %dma_wait3A_143 = tpu.memref_slice %arg6[%dma_wait3A_140, %dma_wait3A_141, %dma_wait3A_142] : memref<2x128x384xi32, #tpu.memory_space<vmem>> -> memref<1x128x384xi32, #tpu.memory_space<vmem>>
        %dma_wait3A_144 = tpu.memref_squeeze %dma_wait3A_143 : memref<1x128x384xi32, #tpu.memory_space<vmem>> -> memref<128x384xi32, #tpu.memory_space<vmem>>
        %dma_wait3A_145 = arith.constant 0 : i32
        %dma_wait3A_146 = tpu.memref_slice %arg4[%multiple_of3A_139, %dma_wait3A_145] : memref<32768x384xi32, #tpu.memory_space<hbm>> -> memref<128x384xi32, #tpu.memory_space<hbm>>
        %dma_wait3A_147 = arith.constant 0 : i32
        %dma_wait3A_148 = tpu.memref_slice %arg4[%multiple_of3A_139, %dma_wait3A_147] : memref<32768x384xi32, #tpu.memory_space<hbm>> -> memref<128x384xi32, #tpu.memory_space<hbm>>
        %dma_wait3A_149 = arith.constant 0 : i32
        %dma_wait3A_150 = arith.constant 0 : i32
        %dma_wait3A_151 = tpu.memref_slice %arg6[%dma_wait3A_140, %dma_wait3A_149, %dma_wait3A_150] : memref<2x128x384xi32, #tpu.memory_space<vmem>> -> memref<1x128x384xi32, #tpu.memory_space<vmem>>
        %dma_wait3A_152 = tpu.memref_squeeze %dma_wait3A_151 : memref<1x128x384xi32, #tpu.memory_space<vmem>> -> memref<128x384xi32, #tpu.memory_space<vmem>>
        tpu.wait_dma2 semaphore(%arg10 : memref<!tpu.dma_semaphore, #tpu.memory_space<semaphore_mem>>) src(%dma_wait3A_152 : memref<128x384xi32, #tpu.memory_space<vmem>>) dst(%dma_wait3A_148 : memref<128x384xi32, #tpu.memory_space<hbm>>)
      } else {
      }
      %add3A_56 = arith.constant 1 : i32
      %add3A_57 = arith.addi %add3A_53, %add3A_56 : i32
      %dma_start3A_58 = arith.constant 1 : i32
      %dma_start3A_59 = arith.constant 0 : i32
      %dma_start3A_60 = arith.constant 0 : i32
      %dma_start3A_61 = tpu.memref_slice %arg6[%dma_start3A_58, %dma_start3A_59, %dma_start3A_60] : memref<2x128x384xi32, #tpu.memory_space<vmem>> -> memref<1x128x384xi32, #tpu.memory_space<vmem>>
      %dma_start3A_62 = tpu.memref_squeeze %dma_start3A_61 : memref<1x128x384xi32, #tpu.memory_space<vmem>> -> memref<128x384xi32, #tpu.memory_space<vmem>>
      %dma_start3A_63 = arith.constant 0 : i32
      %dma_start3A_64 = tpu.memref_slice %arg5[%add3A_57, %dma_start3A_63] : memref<8x128xi32, #tpu.memory_space<vmem>> -> memref<1x128xi32, #tpu.memory_space<vmem>>
      %dma_start3A_65 = tpu.memref_squeeze %dma_start3A_64 : memref<1x128xi32, #tpu.memory_space<vmem>> -> memref<128xi32, #tpu.memory_space<vmem>>
      %dma_start3A_66 = arith.constant 0 : i32
      %dma_start3A_67 = arith.constant 0 : i32
      %dma_start3A_68 = tpu.memref_slice %arg2[%dma_start3A_66, %dma_start3A_67] : memref<8192x384xi32, #tpu.memory_space<hbm>> -> memref<8192x384xi32, #tpu.memory_space<hbm>>
      tpu.enqueue_indirect_dma source(%dma_start3A_68 : memref<8192x384xi32, #tpu.memory_space<hbm>>) target(%dma_start3A_62 : memref<128x384xi32, #tpu.memory_space<vmem>>) offsets(%dma_start3A_65 : memref<128xi32, #tpu.memory_space<vmem>>) semaphore(%arg8 : memref<!tpu.dma_semaphore, #tpu.memory_space<semaphore_mem>>)
      %dma_wait3A_69 = arith.constant 0 : i32
      %dma_wait3A_70 = arith.constant 0 : i32
      %dma_wait3A_71 = arith.constant 0 : i32
      %dma_wait3A_72 = tpu.memref_slice %arg6[%dma_wait3A_69, %dma_wait3A_70, %dma_wait3A_71] : memref<2x128x384xi32, #tpu.memory_space<vmem>> -> memref<1x128x384xi32, #tpu.memory_space<vmem>>
      %dma_wait3A_73 = tpu.memref_squeeze %dma_wait3A_72 : memref<1x128x384xi32, #tpu.memory_space<vmem>> -> memref<128x384xi32, #tpu.memory_space<vmem>>
      %dma_wait3A_74 = arith.constant 0 : i32
      %dma_wait3A_75 = tpu.memref_slice %arg5[%add3A_53, %dma_wait3A_74] : memref<8x128xi32, #tpu.memory_space<vmem>> -> memref<1x128xi32, #tpu.memory_space<vmem>>
      %dma_wait3A_76 = tpu.memref_squeeze %dma_wait3A_75 : memref<1x128xi32, #tpu.memory_space<vmem>> -> memref<128xi32, #tpu.memory_space<vmem>>
      %dma_wait3A_77 = arith.constant 0 : i32
      %dma_wait3A_78 = arith.constant 0 : i32
      %dma_wait3A_79 = tpu.memref_slice %arg2[%dma_wait3A_77, %dma_wait3A_78] : memref<8192x384xi32, #tpu.memory_space<hbm>> -> memref<8192x384xi32, #tpu.memory_space<hbm>>
      tpu.wait_indirect_dma semaphore(%arg7 : memref<!tpu.dma_semaphore, #tpu.memory_space<semaphore_mem>>) src(%dma_wait3A_79 : memref<8192x384xi32, #tpu.memory_space<hbm>>) dst(%dma_wait3A_73 : memref<128x384xi32, #tpu.memory_space<vmem>>)
      %mul3A_80 = arith.constant 128 : i32
      %mul3A_81 = arith.muli %add3A_53, %mul3A_80 : i32
      %add3A_82 = arith.addi %multiple_of3A, %mul3A_81 : i32
      %multiple_of3A_83 = tpu.assume_multiple %add3A_82, 128 : i32
      %dma_start3A_84 = arith.constant 0 : i32
      %dma_start3A_85 = arith.constant 0 : i32
      %dma_start3A_86 = arith.constant 0 : i32
      %dma_start3A_87 = tpu.memref_slice %arg6[%dma_start3A_84, %dma_start3A_85, %dma_start3A_86] : memref<2x128x384xi32, #tpu.memory_space<vmem>> -> memref<1x128x384xi32, #tpu.memory_space<vmem>>
      %dma_start3A_88 = tpu.memref_squeeze %dma_start3A_87 : memref<1x128x384xi32, #tpu.memory_space<vmem>> -> memref<128x384xi32, #tpu.memory_space<vmem>>
      %dma_start3A_89 = arith.constant 0 : i32
      %dma_start3A_90 = tpu.memref_slice %arg4[%multiple_of3A_83, %dma_start3A_89] : memref<32768x384xi32, #tpu.memory_space<hbm>> -> memref<128x384xi32, #tpu.memory_space<hbm>>
      %dma_start3A_91 = arith.constant 0 : i32
      %dma_start3A_92 = tpu.memref_slice %arg4[%multiple_of3A_83, %dma_start3A_91] : memref<32768x384xi32, #tpu.memory_space<hbm>> -> memref<128x384xi32, #tpu.memory_space<hbm>>
      %dma_start3A_93 = arith.constant 0 : i32
      %dma_start3A_94 = arith.constant 0 : i32
      %dma_start3A_95 = tpu.memref_slice %arg6[%dma_start3A_84, %dma_start3A_93, %dma_start3A_94] : memref<2x128x384xi32, #tpu.memory_space<vmem>> -> memref<1x128x384xi32, #tpu.memory_space<vmem>>
      %dma_start3A_96 = tpu.memref_squeeze %dma_start3A_95 : memref<1x128x384xi32, #tpu.memory_space<vmem>> -> memref<128x384xi32, #tpu.memory_space<vmem>>
      tpu.enqueue_dma source(%dma_start3A_96 : memref<128x384xi32, #tpu.memory_space<vmem>>) target(%dma_start3A_92 : memref<128x384xi32, #tpu.memory_space<hbm>>) target_semaphore(%arg9 : memref<!tpu.dma_semaphore, #tpu.memory_space<semaphore_mem>>)
      %add3A_97 = arith.constant 2 : i32
      %add3A_98 = arith.addi %add3A_53, %add3A_97 : i32
      %lt3A = arith.constant 8 : i32
      %lt3A_99 = arith.cmpi slt, %add3A_98, %lt3A : i32
      %convert_element_type3A_100 = arith.extui %lt3A_99 : i1 to i32
      %cond3A_101 = arith.constant 0 : i32
      %cond3A_102 = arith.cmpi ne, %convert_element_type3A_100, %cond3A_101 : i32
      scf.if %cond3A_102 {
        %mul3A_135 = arith.constant 128 : i32
        %mul3A_136 = arith.muli %add3A_53, %mul3A_135 : i32
        %add3A_137 = arith.addi %multiple_of3A, %mul3A_136 : i32
        %multiple_of3A_138 = tpu.assume_multiple %add3A_137, 128 : i32
        %dma_wait3A_139 = arith.constant 0 : i32
        %dma_wait3A_140 = arith.constant 0 : i32
        %dma_wait3A_141 = arith.constant 0 : i32
        %dma_wait3A_142 = tpu.memref_slice %arg6[%dma_wait3A_139, %dma_wait3A_140, %dma_wait3A_141] : memref<2x128x384xi32, #tpu.memory_space<vmem>> -> memref<1x128x384xi32, #tpu.memory_space<vmem>>
        %dma_wait3A_143 = tpu.memref_squeeze %dma_wait3A_142 : memref<1x128x384xi32, #tpu.memory_space<vmem>> -> memref<128x384xi32, #tpu.memory_space<vmem>>
        %dma_wait3A_144 = arith.constant 0 : i32
        %dma_wait3A_145 = tpu.memref_slice %arg4[%multiple_of3A_138, %dma_wait3A_144] : memref<32768x384xi32, #tpu.memory_space<hbm>> -> memref<128x384xi32, #tpu.memory_space<hbm>>
        %dma_wait3A_146 = arith.constant 0 : i32
        %dma_wait3A_147 = tpu.memref_slice %arg4[%multiple_of3A_138, %dma_wait3A_146] : memref<32768x384xi32, #tpu.memory_space<hbm>> -> memref<128x384xi32, #tpu.memory_space<hbm>>
        %dma_wait3A_148 = arith.constant 0 : i32
        %dma_wait3A_149 = arith.constant 0 : i32
        %dma_wait3A_150 = tpu.memref_slice %arg6[%dma_wait3A_139, %dma_wait3A_148, %dma_wait3A_149] : memref<2x128x384xi32, #tpu.memory_space<vmem>> -> memref<1x128x384xi32, #tpu.memory_space<vmem>>
        %dma_wait3A_151 = tpu.memref_squeeze %dma_wait3A_150 : memref<1x128x384xi32, #tpu.memory_space<vmem>> -> memref<128x384xi32, #tpu.memory_space<vmem>>
        tpu.wait_dma2 semaphore(%arg9 : memref<!tpu.dma_semaphore, #tpu.memory_space<semaphore_mem>>) src(%dma_wait3A_151 : memref<128x384xi32, #tpu.memory_space<vmem>>) dst(%dma_wait3A_147 : memref<128x384xi32, #tpu.memory_space<hbm>>)
        %add3A_152 = arith.constant 2 : i32
        %add3A_153 = arith.addi %add3A_53, %add3A_152 : i32
        %dma_start3A_154 = arith.constant 0 : i32
        %dma_start3A_155 = arith.constant 0 : i32
        %dma_start3A_156 = arith.constant 0 : i32
        %dma_start3A_157 = tpu.memref_slice %arg6[%dma_start3A_154, %dma_start3A_155, %dma_start3A_156] : memref<2x128x384xi32, #tpu.memory_space<vmem>> -> memref<1x128x384xi32, #tpu.memory_space<vmem>>
        %dma_start3A_158 = tpu.memref_squeeze %dma_start3A_157 : memref<1x128x384xi32, #tpu.memory_space<vmem>> -> memref<128x384xi32, #tpu.memory_space<vmem>>
        %dma_start3A_159 = arith.constant 0 : i32
        %dma_start3A_160 = tpu.memref_slice %arg5[%add3A_153, %dma_start3A_159] : memref<8x128xi32, #tpu.memory_space<vmem>> -> memref<1x128xi32, #tpu.memory_space<vmem>>
        %dma_start3A_161 = tpu.memref_squeeze %dma_start3A_160 : memref<1x128xi32, #tpu.memory_space<vmem>> -> memref<128xi32, #tpu.memory_space<vmem>>
        %dma_start3A_162 = arith.constant 0 : i32
        %dma_start3A_163 = arith.constant 0 : i32
        %dma_start3A_164 = tpu.memref_slice %arg2[%dma_start3A_162, %dma_start3A_163] : memref<8192x384xi32, #tpu.memory_space<hbm>> -> memref<8192x384xi32, #tpu.memory_space<hbm>>
        tpu.enqueue_indirect_dma source(%dma_start3A_164 : memref<8192x384xi32, #tpu.memory_space<hbm>>) target(%dma_start3A_158 : memref<128x384xi32, #tpu.memory_space<vmem>>) offsets(%dma_start3A_161 : memref<128xi32, #tpu.memory_space<vmem>>) semaphore(%arg7 : memref<!tpu.dma_semaphore, #tpu.memory_space<semaphore_mem>>)
      } else {
      }
      %add3A_103 = arith.constant 1 : i32
      %add3A_104 = arith.addi %add3A_53, %add3A_103 : i32
      %dma_wait3A_105 = arith.constant 1 : i32
      %dma_wait3A_106 = arith.constant 0 : i32
      %dma_wait3A_107 = arith.constant 0 : i32
      %dma_wait3A_108 = tpu.memref_slice %arg6[%dma_wait3A_105, %dma_wait3A_106, %dma_wait3A_107] : memref<2x128x384xi32, #tpu.memory_space<vmem>> -> memref<1x128x384xi32, #tpu.memory_space<vmem>>
      %dma_wait3A_109 = tpu.memref_squeeze %dma_wait3A_108 : memref<1x128x384xi32, #tpu.memory_space<vmem>> -> memref<128x384xi32, #tpu.memory_space<vmem>>
      %dma_wait3A_110 = arith.constant 0 : i32
      %dma_wait3A_111 = tpu.memref_slice %arg5[%add3A_104, %dma_wait3A_110] : memref<8x128xi32, #tpu.memory_space<vmem>> -> memref<1x128xi32, #tpu.memory_space<vmem>>
      %dma_wait3A_112 = tpu.memref_squeeze %dma_wait3A_111 : memref<1x128xi32, #tpu.memory_space<vmem>> -> memref<128xi32, #tpu.memory_space<vmem>>
      %dma_wait3A_113 = arith.constant 0 : i32
      %dma_wait3A_114 = arith.constant 0 : i32
      %dma_wait3A_115 = tpu.memref_slice %arg2[%dma_wait3A_113, %dma_wait3A_114] : memref<8192x384xi32, #tpu.memory_space<hbm>> -> memref<8192x384xi32, #tpu.memory_space<hbm>>
      tpu.wait_indirect_dma semaphore(%arg8 : memref<!tpu.dma_semaphore, #tpu.memory_space<semaphore_mem>>) src(%dma_wait3A_115 : memref<8192x384xi32, #tpu.memory_space<hbm>>) dst(%dma_wait3A_109 : memref<128x384xi32, #tpu.memory_space<vmem>>)
      %add3A_116 = arith.constant 1 : i32
      %add3A_117 = arith.addi %add3A_53, %add3A_116 : i32
      %mul3A_118 = arith.constant 128 : i32
      %mul3A_119 = arith.muli %add3A_117, %mul3A_118 : i32
      %add3A_120 = arith.addi %multiple_of3A, %mul3A_119 : i32
      %multiple_of3A_121 = tpu.assume_multiple %add3A_120, 128 : i32
      %dma_start3A_122 = arith.constant 1 : i32
      %dma_start3A_123 = arith.constant 0 : i32
      %dma_start3A_124 = arith.constant 0 : i32
      %dma_start3A_125 = tpu.memref_slice %arg6[%dma_start3A_122, %dma_start3A_123, %dma_start3A_124] : memref<2x128x384xi32, #tpu.memory_space<vmem>> -> memref<1x128x384xi32, #tpu.memory_space<vmem>>
      %dma_start3A_126 = tpu.memref_squeeze %dma_start3A_125 : memref<1x128x384xi32, #tpu.memory_space<vmem>> -> memref<128x384xi32, #tpu.memory_space<vmem>>
      %dma_start3A_127 = arith.constant 0 : i32
      %dma_start3A_128 = tpu.memref_slice %arg4[%multiple_of3A_121, %dma_start3A_127] : memref<32768x384xi32, #tpu.memory_space<hbm>> -> memref<128x384xi32, #tpu.memory_space<hbm>>
      %dma_start3A_129 = arith.constant 0 : i32
      %dma_start3A_130 = tpu.memref_slice %arg4[%multiple_of3A_121, %dma_start3A_129] : memref<32768x384xi32, #tpu.memory_space<hbm>> -> memref<128x384xi32, #tpu.memory_space<hbm>>
      %dma_start3A_131 = arith.constant 0 : i32
      %dma_start3A_132 = arith.constant 0 : i32
      %dma_start3A_133 = tpu.memref_slice %arg6[%dma_start3A_122, %dma_start3A_131, %dma_start3A_132] : memref<2x128x384xi32, #tpu.memory_space<vmem>> -> memref<1x128x384xi32, #tpu.memory_space<vmem>>
      %dma_start3A_134 = tpu.memref_squeeze %dma_start3A_133 : memref<1x128x384xi32, #tpu.memory_space<vmem>> -> memref<128x384xi32, #tpu.memory_space<vmem>>
      tpu.enqueue_dma source(%dma_start3A_134 : memref<128x384xi32, #tpu.memory_space<vmem>>) target(%dma_start3A_130 : memref<128x384xi32, #tpu.memory_space<hbm>>) target_semaphore(%arg10 : memref<!tpu.dma_semaphore, #tpu.memory_space<semaphore_mem>>)
    }
    %scan3A_17 = arith.constant 4 : i32
    %add3A_18 = arith.constant 768 : i32
    %add3A_19 = arith.addi %multiple_of3A, %add3A_18 : i32
    %multiple_of3A_20 = tpu.assume_multiple %add3A_19, 128 : i32
    %dma_wait3A = arith.constant 0 : i32
    %dma_wait3A_21 = arith.constant 0 : i32
    %dma_wait3A_22 = arith.constant 0 : i32
    %dma_wait3A_23 = tpu.memref_slice %arg6[%dma_wait3A, %dma_wait3A_21, %dma_wait3A_22] : memref<2x128x384xi32, #tpu.memory_space<vmem>> -> memref<1x128x384xi32, #tpu.memory_space<vmem>>
    %dma_wait3A_24 = tpu.memref_squeeze %dma_wait3A_23 : memref<1x128x384xi32, #tpu.memory_space<vmem>> -> memref<128x384xi32, #tpu.memory_space<vmem>>
    %dma_wait3A_25 = arith.constant 0 : i32
    %dma_wait3A_26 = tpu.memref_slice %arg4[%multiple_of3A_20, %dma_wait3A_25] : memref<32768x384xi32, #tpu.memory_space<hbm>> -> memref<128x384xi32, #tpu.memory_space<hbm>>
    %dma_wait3A_27 = arith.constant 0 : i32
    %dma_wait3A_28 = tpu.memref_slice %arg4[%multiple_of3A_20, %dma_wait3A_27] : memref<32768x384xi32, #tpu.memory_space<hbm>> -> memref<128x384xi32, #tpu.memory_space<hbm>>
    %dma_wait3A_29 = arith.constant 0 : i32
    %dma_wait3A_30 = arith.constant 0 : i32
    %dma_wait3A_31 = tpu.memref_slice %arg6[%dma_wait3A, %dma_wait3A_29, %dma_wait3A_30] : memref<2x128x384xi32, #tpu.memory_space<vmem>> -> memref<1x128x384xi32, #tpu.memory_space<vmem>>
    %dma_wait3A_32 = tpu.memref_squeeze %dma_wait3A_31 : memref<1x128x384xi32, #tpu.memory_space<vmem>> -> memref<128x384xi32, #tpu.memory_space<vmem>>
    tpu.wait_dma2 semaphore(%arg9 : memref<!tpu.dma_semaphore, #tpu.memory_space<semaphore_mem>>) src(%dma_wait3A_32 : memref<128x384xi32, #tpu.memory_space<vmem>>) dst(%dma_wait3A_28 : memref<128x384xi32, #tpu.memory_space<hbm>>)
    %add3A_33 = arith.constant 896 : i32
    %add3A_34 = arith.addi %multiple_of3A, %add3A_33 : i32
    %multiple_of3A_35 = tpu.assume_multiple %add3A_34, 128 : i32
    %dma_wait3A_36 = arith.constant 1 : i32
    %dma_wait3A_37 = arith.constant 0 : i32
    %dma_wait3A_38 = arith.constant 0 : i32
    %dma_wait3A_39 = tpu.memref_slice %arg6[%dma_wait3A_36, %dma_wait3A_37, %dma_wait3A_38] : memref<2x128x384xi32, #tpu.memory_space<vmem>> -> memref<1x128x384xi32, #tpu.memory_space<vmem>>
    %dma_wait3A_40 = tpu.memref_squeeze %dma_wait3A_39 : memref<1x128x384xi32, #tpu.memory_space<vmem>> -> memref<128x384xi32, #tpu.memory_space<vmem>>
    %dma_wait3A_41 = arith.constant 0 : i32
    %dma_wait3A_42 = tpu.memref_slice %arg4[%multiple_of3A_35, %dma_wait3A_41] : memref<32768x384xi32, #tpu.memory_space<hbm>> -> memref<128x384xi32, #tpu.memory_space<hbm>>
    %dma_wait3A_43 = arith.constant 0 : i32
    %dma_wait3A_44 = tpu.memref_slice %arg4[%multiple_of3A_35, %dma_wait3A_43] : memref<32768x384xi32, #tpu.memory_space<hbm>> -> memref<128x384xi32, #tpu.memory_space<hbm>>
    %dma_wait3A_45 = arith.constant 0 : i32
    %dma_wait3A_46 = arith.constant 0 : i32
    %dma_wait3A_47 = tpu.memref_slice %arg6[%dma_wait3A_36, %dma_wait3A_45, %dma_wait3A_46] : memref<2x128x384xi32, #tpu.memory_space<vmem>> -> memref<1x128x384xi32, #tpu.memory_space<vmem>>
    %dma_wait3A_48 = tpu.memref_squeeze %dma_wait3A_47 : memref<1x128x384xi32, #tpu.memory_space<vmem>> -> memref<128x384xi32, #tpu.memory_space<vmem>>
    tpu.wait_dma2 semaphore(%arg10 : memref<!tpu.dma_semaphore, #tpu.memory_space<semaphore_mem>>) src(%dma_wait3A_48 : memref<128x384xi32, #tpu.memory_space<vmem>>) dst(%dma_wait3A_44 : memref<128x384xi32, #tpu.memory_space<hbm>>)
    return
  }
}

module attributes {stable_mosaic.version = 14 : i64} {
  func.func @_add_body(%arg0: i32, %arg1: memref<2048x768xf32, #tpu.memory_space<vmem>>, %arg2: memref<2048x384xi32, #tpu.memory_space<vmem>>, %arg3: memref<2048x768xf32, #tpu.memory_space<vmem>>) attributes {dimension_semantics = [#tpu.dimension_semantics<arbitrary>], iteration_bounds = array<i64: 16>, scalar_prefetch = 0 : i64, scratch_operands = 0 : i64, tpu.core_type = #tpu.core_type<tc>, window_params = [{transform_indices = @transform_0, window_bounds = array<i64: 2048, 768>}, {transform_indices = @transform_1, window_bounds = array<i64: 2048, 384>}, {transform_indices = @transform_2, window_bounds = array<i64: 2048, 768>}]} {
    %get3A = arith.constant 0 : index
    %get3A_0 = arith.constant 0 : index
    %get3A_1 = vector.load %arg2[%get3A, %get3A_0] : memref<2048x384xi32, #tpu.memory_space<vmem>>, vector<2048x384xi32>
    %bitcast_convert_type3A = tpu.bitcast %get3A_1 : vector<2048x384xi32> -> vector<2048x384xi32>
    %and3A = arith.constant -65536 : i32
    %and3A_2 = vector.broadcast %and3A : i32 to vector<2048x384xi32>
    %and3A_3 = arith.andi %bitcast_convert_type3A, %and3A_2 : vector<2048x384xi32>
    %bitcast_convert_type3A_4 = tpu.bitcast %and3A_3 : vector<2048x384xi32> -> vector<2048x384xf32>
    %shift_left3A = arith.constant 16 : i32
    %shift_left3A_5 = vector.broadcast %shift_left3A : i32 to vector<2048x384xi32>
    %shift_left3A_6 = arith.shli %bitcast_convert_type3A, %shift_left3A_5 : vector<2048x384xi32>
    %bitcast_convert_type3A_7 = tpu.bitcast %shift_left3A_6 : vector<2048x384xi32> -> vector<2048x384xf32>
    %get3A_8 = arith.constant 0 : index
    %get3A_9 = arith.constant 0 : index
    %get3A_10 = vector.load %arg1[%get3A_8, %get3A_9] : memref<2048x768xf32, #tpu.memory_space<vmem>>, vector<2048x384xf32>
    %add3A = arith.addf %get3A_10, %bitcast_convert_type3A_7 : vector<2048x384xf32>
    %swap3A = arith.constant 0 : index
    %swap3A_11 = arith.constant 0 : index
    %swap3A_12 = vector.load %arg3[%swap3A, %swap3A_11] : memref<2048x768xf32, #tpu.memory_space<vmem>>, vector<2048x384xf32>
    tpu.vector_store %arg3[%swap3A, %swap3A_11], %add3A {strides = array<i32>} : memref<2048x768xf32, #tpu.memory_space<vmem>>, vector<2048x384xf32>,
    %get3A_13 = arith.constant 0 : index
    %get3A_14 = arith.constant 384 : index
    %get3A_15 = vector.load %arg1[%get3A_13, %get3A_14] : memref<2048x768xf32, #tpu.memory_space<vmem>>, vector<2048x384xf32>
    %add3A_16 = arith.addf %get3A_15, %bitcast_convert_type3A_4 : vector<2048x384xf32>
    %swap3A_17 = arith.constant 0 : index
    %swap3A_18 = arith.constant 384 : index
    %swap3A_19 = vector.load %arg3[%swap3A_17, %swap3A_18] : memref<2048x768xf32, #tpu.memory_space<vmem>>, vector<2048x384xf32>
    tpu.vector_store %arg3[%swap3A_17, %swap3A_18], %add3A_16 {strides = array<i32>} : memref<2048x768xf32, #tpu.memory_space<vmem>>, vector<2048x384xf32>,
    return
  }
  func.func @transform_0(%arg0: i32) -> (i32, i32) {
    %c0_i32 = arith.constant 0 : i32
    %c0_i32_0 = arith.constant 0 : i32
    return %arg0, %c0_i32 : i32, i32
  }
  func.func @transform_1(%arg0: i32) -> (i32, i32) {
    %c0_i32 = arith.constant 0 : i32
    %c0_i32_0 = arith.constant 0 : i32
    return %arg0, %c0_i32 : i32, i32
  }
  func.func @transform_2(%arg0: i32) -> (i32, i32) {
    %c0_i32 = arith.constant 0 : i32
    %c0_i32_0 = arith.constant 0 : i32
    return %arg0, %c0_i32 : i32, i32
  }
}

module attributes {stable_mosaic.version = 14 : i64} {
  func.func @_ln_body(%arg0: i32, %arg1: memref<2048x768xf32, #tpu.memory_space<vmem>>, %arg2: memref<1x768xf32, #tpu.memory_space<vmem>>, %arg3: memref<1x768xf32, #tpu.memory_space<vmem>>, %arg4: memref<2048x384xi32, #tpu.memory_space<vmem>>) attributes {dimension_semantics = [#tpu.dimension_semantics<arbitrary>], iteration_bounds = array<i64: 4>, scalar_prefetch = 0 : i64, scratch_operands = 0 : i64, tpu.core_type = #tpu.core_type<tc>, window_params = [{transform_indices = @transform_0, window_bounds = array<i64: 2048, 768>}, {pipeline_mode = #tpu.pipeline_mode<synchronous>, transform_indices = @transform_1, window_bounds = array<i64: 1, 768>}, {pipeline_mode = #tpu.pipeline_mode<synchronous>, transform_indices = @transform_2, window_bounds = array<i64: 1, 768>}, {transform_indices = @transform_3, window_bounds = array<i64: 2048, 384>}]} {
    %get3A = arith.constant 0 : index
    %get3A_0 = arith.constant 0 : index
    %get3A_1 = vector.load %arg1[%get3A, %get3A_0] : memref<2048x768xf32, #tpu.memory_space<vmem>>, vector<2048x768xf32>
    %mul3A = arith.constant 27.7128124 : f32
    %mul3A_2 = vector.broadcast %mul3A : f32 to vector<2048x768xf32>
    %mul3A_3 = arith.mulf %get3A_1, %mul3A_2 : vector<2048x768xf32>
    %reduce_sum3A = arith.constant dense<0.000000e+00> : vector<2048xf32>
    %reduce_sum3A_4 = vector.multi_reduction <add>, %mul3A_3, %reduce_sum3A [1] : vector<2048x768xf32> to vector<2048xf32>
    %broadcast_in_dim3A = vector.shape_cast %reduce_sum3A_4 : vector<2048xf32> to vector<2048x1xf32>
    %div3A = arith.constant 7.680000e+02 : f32
    %div3A_5 = vector.broadcast %div3A : f32 to vector<2048x1xf32>
    %div3A_6 = arith.divf %broadcast_in_dim3A, %div3A_5 : vector<2048x1xf32>
    %sub3A = vector.broadcast %div3A_6 : vector<2048x1xf32> to vector<2048x768xf32>
    %sub3A_7 = arith.subf %mul3A_3, %sub3A : vector<2048x768xf32>
    %mul3A_8 = arith.mulf %sub3A_7, %sub3A_7 : vector<2048x768xf32>
    %reduce_sum3A_9 = arith.constant dense<0.000000e+00> : vector<2048xf32>
    %reduce_sum3A_10 = vector.multi_reduction <add>, %mul3A_8, %reduce_sum3A_9 [1] : vector<2048x768xf32> to vector<2048xf32>
    %broadcast_in_dim3A_11 = vector.shape_cast %reduce_sum3A_10 : vector<2048xf32> to vector<2048x1xf32>
    %div3A_12 = arith.constant 7.680000e+02 : f32
    %div3A_13 = vector.broadcast %div3A_12 : f32 to vector<2048x1xf32>
    %div3A_14 = arith.divf %broadcast_in_dim3A_11, %div3A_13 : vector<2048x1xf32>
    %add3A = arith.constant 9.99999974E-6 : f32
    %add3A_15 = vector.broadcast %add3A : f32 to vector<2048x1xf32>
    %add3A_16 = arith.addf %div3A_14, %add3A_15 : vector<2048x1xf32>
    %rsqrt3A = math.rsqrt %add3A_16 : vector<2048x1xf32>
    %mul3A_17 = vector.broadcast %rsqrt3A : vector<2048x1xf32> to vector<2048x768xf32>
    %mul3A_18 = arith.mulf %sub3A_7, %mul3A_17 : vector<2048x768xf32>
    %get3A_19 = arith.constant 0 : index
    %get3A_20 = arith.constant 0 : index
    %get3A_21 = vector.load %arg2[%get3A_19, %get3A_20] : memref<1x768xf32, #tpu.memory_space<vmem>>, vector<1x768xf32>
    %mul3A_22 = vector.broadcast %get3A_21 : vector<1x768xf32> to vector<2048x768xf32>
    %mul3A_23 = arith.mulf %mul3A_18, %mul3A_22 : vector<2048x768xf32>
    %get3A_24 = arith.constant 0 : index
    %get3A_25 = arith.constant 0 : index
    %get3A_26 = vector.load %arg3[%get3A_24, %get3A_25] : memref<1x768xf32, #tpu.memory_space<vmem>>, vector<1x768xf32>
    %add3A_27 = vector.broadcast %get3A_26 : vector<1x768xf32> to vector<2048x768xf32>
    %add3A_28 = arith.addf %mul3A_23, %add3A_27 : vector<2048x768xf32>
    %convert_element_type3A = arith.truncf %add3A_28 : vector<2048x768xf32> to vector<2048x768xbf16>
    %slice3A = vector.extract_strided_slice %convert_element_type3A {offsets = [0, 0], sizes = [2048, 384], strides = [1, 1]} : vector<2048x768xbf16> to vector<2048x384xbf16>
    %convert_element_type3A_29 = arith.extf %slice3A : vector<2048x384xbf16> to vector<2048x384xf32>
    %bitcast_convert_type3A = tpu.bitcast %convert_element_type3A_29 : vector<2048x384xf32> -> vector<2048x384xi32>
    %slice3A_30 = vector.extract_strided_slice %convert_element_type3A {offsets = [0, 384], sizes = [2048, 384], strides = [1, 1]} : vector<2048x768xbf16> to vector<2048x384xbf16>
    %convert_element_type3A_31 = arith.extf %slice3A_30 : vector<2048x384xbf16> to vector<2048x384xf32>
    %bitcast_convert_type3A_32 = tpu.bitcast %convert_element_type3A_31 : vector<2048x384xf32> -> vector<2048x384xi32>
    %shift_right_logical3A = arith.constant 16 : i32
    %shift_right_logical3A_33 = vector.broadcast %shift_right_logical3A : i32 to vector<2048x384xi32>
    %shift_right_logical3A_34 = arith.shrui %bitcast_convert_type3A, %shift_right_logical3A_33 : vector<2048x384xi32>
    %or3A = arith.ori %bitcast_convert_type3A_32, %shift_right_logical3A_34 : vector<2048x384xi32>
    %bitcast_convert_type3A_35 = tpu.bitcast %or3A : vector<2048x384xi32> -> vector<2048x384xi32>
    %swap3A = arith.constant 0 : index
    %swap3A_36 = arith.constant 0 : index
    %swap3A_37 = vector.load %arg4[%swap3A, %swap3A_36] : memref<2048x384xi32, #tpu.memory_space<vmem>>, vector<2048x384xi32>
    tpu.vector_store %arg4[%swap3A, %swap3A_36], %bitcast_convert_type3A_35 {strides = array<i32>} : memref<2048x384xi32, #tpu.memory_space<vmem>>, vector<2048x384xi32>,
    return
  }
  func.func @transform_0(%arg0: i32) -> (i32, i32) {
    %c0_i32 = arith.constant 0 : i32
    %c0_i32_0 = arith.constant 0 : i32
    return %arg0, %c0_i32 : i32, i32
  }
  func.func @transform_1(%arg0: i32) -> (i32, i32) {
    %c0_i32 = arith.constant 0 : i32
    %c0_i32_0 = arith.constant 0 : i32
    %c0_i32_1 = arith.constant 0 : i32
    return %c0_i32, %c0_i32_0 : i32, i32
  }
  func.func @transform_2(%arg0: i32) -> (i32, i32) {
    %c0_i32 = arith.constant 0 : i32
    %c0_i32_0 = arith.constant 0 : i32
    %c0_i32_1 = arith.constant 0 : i32
    return %c0_i32, %c0_i32_0 : i32, i32
  }
  func.func @transform_3(%arg0: i32) -> (i32, i32) {
    %c0_i32 = arith.constant 0 : i32
    %c0_i32_0 = arith.constant 0 : i32
    return %arg0, %c0_i32 : i32, i32
  }
}

</mosaic_0001>

<sc_bundles>
// kernel: kernel.5.cloned.1.call-start
scs
__scs_entry_jumppad:
0x0: {  	(pc) =	sbr.rel $0x88, $3  }
0x1: {  	(tag) =	ssettag $0x0;
	lr =	simm.s32 $0x1  }
0x2: {  	[smem:$0x3F9C] =	sst lr;
	_ =	strace $0xD0000000  }
0x3: {  	_ = 	snop  }
0x4: {  	_ = 	snop  }
0x5: {  	_ = 	snop  }
0x6: {  	_ = 	snop  }
0x7: {  	_ = 	snop  }
__scs_overlays_trampoline_lowered:
0x8: {  	[smem:$0x3FAB] =	sst s0  }
0x9: {  	[smem:$0x3FAC] =	sst s1  }
0xa: {  	[smem:$0x3FAD] =	sst s2  }
0xb: {  	[smem:$0x3FAE] =	sst s3  }
0xc: {  	[smem:$0x3FAF] =	sst s4  }
0xd: {  	[smem:$0x3FB0] =	sst s5  }
0xe: {  	[smem:$0x3FB1] =	sst s6  }
0xf: {  	[smem:$0x3FB2] =	sst s7  }
0x10: {  	[smem:$0x3FB3] =	sst s8  }
0x11: {  	[smem:$0x3FB4] =	sst s9;
	s0 =	simm.s32 @!p0 $0x0  }
0x12: {  	s1 =	sld [smem:$0x3F9A];
	s0 =	simm.s32 @p0 $0x1  }
0x13: {  	[smem:$0x3FB5] =	sst s0;
	s0 =	simm.s32 @!p1 $0x0  }
0x14: {  	s2 =	sld [smem:$0x3F99];
	s0 =	simm.s32 @p1 $0x1  }
0x15: {  	[smem:$0x3FB6] =	sst s0;
	s0 =	simm.s32 @!p2 $0x0  }
0x16: {  	s3 =	sld [smem:$0x3FDB];
	s0 =	simm.s32 @p2 $0x1  }
0x17: {  	s4 =	simm.s32 $0x1BF5;
	[smem:$0x3FB8] =	sst s0  }
0x18: {  	s0 =	sld [smem:$0x3F9B];
	_ =	swait.ge [sflag:s4], $0x0  }
0x19: {  	s7 =	sld [smem:$0x3F9C]  }
0x1a: {  	s8 =	sadd.s32 $0xFFFFE003, lr  }
0x1b: {  	s9 =	sadd.s32 $0xFFFFFEF7, lr;
	s5 =	simm.s32 $0xFFFFFFFF;
	p2 =	slt.u32 s8, $0xFFFFF086  }
0x1c: {  	p1 =	slt.u32 s9, $0xF7A;
	s5 =	simm.s32 @!p2 $0x0  }
0x1d: {  	s5 =	simm.s32 @p1 $0x1;
	p0 =	seq.s32 s7, s2  }
0x1e: {  	s7 =	smul.u32 @!p0 $0xF7A, s2;
	p2 =	seq.s32 @!p0 s5, $0x0  }
0x1f: {  	s9 =	smul.u32 $0xF7A, s1;
	s8 =	simm.s32 @!p0 $0x1BF5;
	p2 =	por !p2, p0  }
0x20: {  	[sflag:s8] =	ssyncset.s32 @!p0 $0xFFFFF086;
	s6 =	sadd.s32 @!p0 s3, s7;
	s7 =	simm.s32 @!p0 $0x108  }
0x21: {  	s3 =	sadd.s32 s3, s9;
	s6 =	sadd.s32 @!p0 $0x88, s6;
	s7 =	simm.s32 @p2 $0x1082  }
0x22: {  	[simem:s7], [sflag:s8] =	dma.local @!p0 [hbm:s6], $0xF7A  }
0x23: {  	s9 =	sor.u32 $0xD0000000, s2;
	s6 =	simm.s32 $0x108;
	_ =	swait.ge @!p0 [sflag:s8], $0x0  }
0x24: {  	s3 =	sadd.s32 $0x88, s3;
	s6 =	simm.s32 @!p1 $0x1082;
	[sflag:s4] =	ssyncset.s32 $0xFFFFF086  }
0x25: {  	[simem:s6], [sflag:s4] =	dma.local [hbm:s3], $0xF7A  }
0x26: {  	[smem:$0x3F9C] =	sst s1;
	(tag) =	ssettag s2;
	_ =	strace s9  }
0x27: {  	s1 =	sld [smem:$0x3FAC]  }
0x28: {  	s2 =	sld [smem:$0x3FAD]  }
0x29: {  	s4 =	sld [smem:$0x3FAF]  }
0x2a: {  	p0 =	seq.s32 s5, $0x0;
	s5 =	sld [smem:$0x3FB0]  }
0x2b: {  	s6 =	sld [smem:$0x3FB1]  }
0x2c: {  	s7 =	sld [smem:$0x3FB2]  }
0x2d: {  	s3 =	simm.s32 $0x108;
	s8 =	sld [smem:$0x3FB3]  }
0x2e: {  	s3 =	simm.s32 @!p0 $0x1082;
	s9 =	sld [smem:$0x3FB4]  }
0x2f: {  	lr =	sadd.s32 s0, s3;
	s0 =	sld [smem:$0x3FAB]  }
0x30: {  	s3 =	sld [smem:$0x3FAE]  }
0x31: {  	[smem:$0x3FB7] =	sst s10  }
0x32: {  	s10 =	sld [smem:$0x3FB5];
	_ =	sdelay $0x3  }
0x33: {  	p0 =	seq.s32 s10, $0x1;
	s10 =	sld [smem:$0x3FB7];
	_ =	sdelay $0x3  }
0x34: {  	[smem:$0x3FB7] =	sst s10  }
0x35: {  	s10 =	sld [smem:$0x3FB6];
	_ =	sdelay $0x3  }
0x36: {  	p1 =	seq.s32 s10, $0x1;
	s10 =	sld [smem:$0x3FB7];
	_ =	sdelay $0x3  }
0x37: {  	[smem:$0x3FB7] =	sst s10  }
0x38: {  	s10 =	sld [smem:$0x3FB8]  }
0x39: {  	_ = 	snop;
	(pc) =	sbr.ind lr, $3  }
0x3a: {  	_ = 	snop  }
0x3b: {  	_ = 	snop  }
0x3c: {  	p2 =	seq.s32 s10, $0x1;
	s10 =	sld [smem:$0x3FB7]  }
0x3d: {  	_ =	shalt  }
0x3e: {  	_ =	shalt  }
0x3f: {  	_ =	shalt  }
0x40: {  	_ =	shalt  }
0x41: {  	_ =	shalt  }
0x42: {  	_ =	shalt  }
0x43: {  	_ =	shalt  }
0x44: {  	_ =	shalt  }
0x45: {  	_ =	shalt  }
0x46: {  	_ =	shalt  }
0x47: {  	_ =	shalt  }
0x48: {  	_ =	shalt  }
0x49: {  	_ =	shalt  }
0x4a: {  	_ =	shalt  }
0x4b: {  	_ =	shalt  }
0x4c: {  	_ =	shalt  }
0x4d: {  	_ =	shalt  }
0x4e: {  	_ =	shalt  }
0x4f: {  	_ =	shalt  }
0x50: {  	_ =	shalt  }
0x51: {  	_ =	shalt  }
0x52: {  	_ =	shalt  }
0x53: {  	_ =	shalt  }
0x54: {  	_ =	shalt  }
0x55: {  	_ =	shalt  }
0x56: {  	_ =	shalt  }
0x57: {  	_ =	shalt  }
0x58: {  	_ =	shalt  }
0x59: {  	_ =	shalt  }
0x5a: {  	_ =	shalt  }
0x5b: {  	_ =	shalt  }
0x5c: {  	_ =	shalt  }
0x5d: {  	_ =	shalt  }
0x5e: {  	_ =	shalt  }
0x5f: {  	_ =	shalt  }
0x60: {  	_ =	shalt  }
0x61: {  	_ =	shalt  }
0x62: {  	_ =	shalt  }
0x63: {  	_ =	shalt  }
0x64: {  	_ =	shalt  }
0x65: {  	_ =	shalt  }
0x66: {  	_ =	shalt  }
0x67: {  	_ =	shalt  }
0x68: {  	_ =	shalt  }
0x69: {  	_ =	shalt  }
0x6a: {  	_ =	shalt  }
0x6b: {  	_ =	shalt  }
0x6c: {  	_ =	shalt  }
0x6d: {  	_ =	shalt  }
0x6e: {  	_ =	shalt  }
0x6f: {  	_ =	shalt  }
0x70: {  	_ =	shalt  }
0x71: {  	_ =	shalt  }
0x72: {  	_ =	shalt  }
0x73: {  	_ =	shalt  }
0x74: {  	_ =	shalt  }
0x75: {  	_ =	shalt  }
0x76: {  	_ =	shalt  }
0x77: {  	_ =	shalt  }
0x78: {  	_ =	shalt  }
0x79: {  	_ =	shalt  }
0x7a: {  	_ =	shalt  }
0x7b: {  	_ =	shalt  }
0x7c: {  	_ =	shalt  }
0x7d: {  	_ =	shalt  }
0x7e: {  	_ =	shalt  }
0x7f: {  	_ =	shalt  }
0x80: {  	_ =	shalt  }
0x81: {  	_ =	shalt  }
0x82: {  	_ =	shalt  }
0x83: {  	_ =	shalt  }
0x84: {  	_ =	shalt  }
0x85: {  	_ =	shalt  }
0x86: {  	_ =	shalt  }
0x87: {  	_ =	shalt  }
.Lfunc_end0:
.L_simem_size_0:
called_computation_lowered:
.L_overlay_start_0:
0x88: {  	s2 =	sld [smem:$0x3FD9]  }
0x89: {  	s3 =	sld [smem:$0x3FFE];
	_ =	sdelay $0x1  }
0x8a: {  	s1 =	srdreg.scid  }
0x8b: {  	s0 =	sand.u32 $0x1, s1  }
0x8c: {  	s17 =	sshll.u32 s0, $0xA;
	s2 =	sadd.s32 s3, s2  }
0x8d: {  	s2 =	sadd.s32 s2, s17  }
0x8e: {  	[smem:$0x3FC3] =	sst s2  }
0x8f: {  	_ = 	snop  }
0x90: {  	s2 =	sld [smem:$0x3FD0];
	(tm) =	ssettm $0x1  }
0x91: {  	s18 =	sld [smem:$0x3FFB];
	_ =	sdelay $0x3  }
0x92: {  	_ =	strace s18  }
0x93: {  	s3 =	sld [smem:$0x3FFC];
	_ =	sdelay $0x3  }
0x94: {  	_ =	strace s3  }
0x95: {  	s3 =	sld [smem:$0x3FFD];
	_ =	sdelay $0x3  }
0x96: {  	_ =	strace s3  }
0x97: {  	_ =	strace $0x8FFFFFFF  }
0x98: {  	s19 =	sld [smem:$0x3FDB];
	_ =	sdelay $0x1  }
0x99: {  	s4 =	simm.s32 $_scs_section_size  }
0x9a: {  	s5 =	simm.s32 $_size__tile_overlayer_lowered;
	s6 =	simm.s32 $_tile_overlayer_lowered  }
0x9b: {  	s22 =	simm.s32 $0x1BFF;
	s21 =	sshll.u32 s6, $0x1;
	s3 =	sadd.s32 s4, s19  }
0x9c: {  	s7 =	simm.s32 $0x0;
	s20 =	sshll.u32 s5, $0x1;
	s5 =	sadd.s32 s21, s3  }
0x9d: {  	[timem:s7], [sflag:s22] =	dma.local [hbm:s5], s20  }
0x9e: {  	_ =	swait.ge [sflag:s22], s20  }
0x9f: {  	s4 =	ssub.s32 $0x0, s20;
	[sflag:s22] =	ssyncset.done $0x0  }
0xa0: {  	[sflag:s22] =	ssyncadd.s32 s4;
	_ =	sdelay $0x1  }
0xa1: {  	s23 =	simm.s32 $0x1B8B  }
0xa2: {  	_ =	swait.ge [sflag:s23], $0x1  }
0xa3: {  	[sflag:s23] =	ssyncset.done $0x0  }
0xa4: {  	s25 =	simm.s32 $0x1B8E;
	s24 =	sld [smem:$0x3FFE];
	[sflag:s23] =	ssyncadd.s32 $0xFFFFFFFF  }
0xa5: {  	s26 =	simm.s32 $execute0_lowered;
	[smem:$0x3FD2] =	sst s25  }
0xa6: {  	s5 =	sshll.u32 s26, $0x1;
	_ =	strace $0x80000046;
	[dreg:$0x1] =	wrdreg $0xFFFFFFFF  }
0xa7: {  	s28 =	simm.s32 $_size_execute0_lowered;
	s3 =	sadd.s32 s3, s5;
	[dreg:$0x0] =	wrdreg $0x0  }
0xa8: {  	s5 =	sshll.u32 s28, $0x1;
	[dreg:$0x2] =	wrdreg s3  }
0xa9: {  	[dreg:$0x3] =	wrdreg s5  }
0xaa: {  	[dreg:$0x4] =	wrdreg $0xC0  }
0xab: {  	_ =	task [dreg:s7], $0x5FFFF  }
0xac: {  	[dreg:$0x1] =	wrdreg $0xFFFFFFFF  }
0xad: {  	[dreg:$0x0] =	wrdreg $0x60  }
0xae: {  	[dreg:$0x2] =	wrdreg s2  }
0xaf: {  	[dreg:$0x3] =	wrdreg s24  }
0xb0: {  	[dreg:$0x4] =	wrdreg $0x9  }
0xb1: {  	_ =	task.clear_ibuf [dreg:s7], $0x5FFFF;
	_ =	strace $0x90000046  }
0xb2: {  	s29 =	simm.s32 $0x9;
	_ =	strace $0x80000048  }
0xb3: {  	_ =	swait.ge [sflag:s29], $0x1  }
0xb4: {  	[sflag:s29] =	ssyncadd.s32 $0xFFFFFFFF  }
0xb5: {  	_ =	strace $0x90000048  }
0xb6: {  	_ =	sfence  }
0xb7: {  	s30 =	sld [smem:$0x0];
	_ =	sdelay $0x2  }
0xb8: {  	s31 =	sshll.u32 s1, $0xD;
	s1 =	sshrl.u32 s1, $0x2  }
0xb9: {  	s3 =	sand.u32 $0x4000, s31;
	s1 =	sadd.s32 s1, s30  }
0xba: {  	s0 =	sor.u32 s3, s0;
	s1 =	sshll.u32 s1, $0x11  }
0xbb: {  	s0 =	sor.u32 s1, s0  }
0xbc: {  	s0 =	sadd.s32 $0x8F2B, s0  }
0xbd: {  	[sflag:s0] =	ssyncadd.remote.s32 $0x1  }
0xbe: {  	_ =	sfence.sel $0xFFFF  }
0xbf: {  	[dreg:$0x0] =	wrdreg $0xFFFFFFFF;
	(pc) =	sbr.abs _section_cstart, $3  }
0xc0: {  	[dreg:$0x1] =	wrdreg $0xFFFFFFFF  }
0xc1: {  	_ =	task.clear_ibuf [dreg:s7], $0x2FFFF;
	_ =	strace $0x9FFFFFFF  }
0xc2: {  	(tm) =	ssettm $0x7FFFFFFF  }
0xc3: {  	_ =	shalt  }
tec
execute0_lowered:
.L_overlay_start_1:
0x0: {  	(tag) =	ssettag $0x1  }
0x1: {  	s2 =	rddreg [dreg:$0x0]  }
0x2: {  	s0 =	rddreg [dreg:$0x1]  }
0x3: {  	s1 =	srdreg.scid;
	s4 =	stileid.u32;
	s3 =	simm.s32 $0x0  }
0x4: {  	s10 =	simm.s32 $0x400;
	s17 =	simm.s32 $0xC400;
	s9 =	simm.s32 $0x13000  }
0x5: {  	s11 =	simm.s32 $0x13800;
	s12 =	simm.s32 $0x13C00;
	s13 =	simm.s32 $0x14400  }
0x6: {  	s14 =	simm.s32 $0x14800;
	s15 =	simm.s32 $0x15000;
	s16 =	simm.s32 $0x15400  }
0x7: {  	s18 =	simm.s32 $0x15C00;
	s19 =	simm.s32 $0x16000;
	s20 =	simm.s32 $0x16800  }
0x8: {  	s21 =	simm.s32 $0x16C00;
	s22 =	simm.s32 $0x17400;
	s23 =	simm.s32 $0x17800  }
0x9: {  	s24 =	simm.s32 $0x18000;
	s25 =	simm.s32 $0x1;
	s26 =	simm.s32 $0x2  }
0xa: {  	s28 =	simm.s32 $0x3;
	s31 =	simm.s32 $0x0;
	s1 =	sand.u32 $0x1, s1  }
0xb: {  	s4 =	sshll.u32 s4, $0xB;
	[smem:$0x7FF] =	sst s3;
	s5 =	sshll.u32 s1, $0xA  }
0xc: {  	_ =	strace $0x80000047;
	s1 =	ssub.s32 $0x2, s1;
	s4 =	sor.u32 s5, s4  }
0xd: {  	s7 =	sshrl.u32 s1, $0x1;
	s5 =	sshrl.u32 s4, $0x3;
	s4 =	sor.u32 $0x80, s4  }
0xe: {  	s1 =	ssub.s32 s1, s7;
	s6 =	sadd.s32 s5, s0;
	s8 =	smul.u32 $0x180, s5  }
.Ltmp0:
0xf: {  	s4 =	sshrl.u32 s4, $0x3;
	s0 =	sadd.s32 $0x1600, s0;
	(pc) =	sbr.rel .LBB2_1-.Ltmp0, $4  }
0x10: {  	s5 =	sadd.s32 $0x100, s2;
	s1 =	smax.u32 s1, $0x1;
	s4 =	smul.u32 $0x180, s4  }
0x11: {  	v2 =	vlaneseq.u32;
	s30 =	sadd.s32 $0x600, s6;
	[dreg:$0x4] =	wrdreg s1;
	s1 =	simm.s32 $0x12000  }
0x12: {  	vm0 =	vmmov $0xffff;
	vm1 =	vmmov $0xff;
	v1 =	vshrl.u32 v2, $0x3;
	s6 =	simm.s32 $0x12C00;
	[dreg:$0x3] =	wrdreg s30;
	s7 =	sadd.s32 s8, s0  }
0x13: {  	v0 =	vand.u32 $0x7, v2;
	v2 =	vor.u32 $0x8, v2;
	v1 =	vmul.u32 $0x8, v1;
	s8 =	sadd.s32 s4, s0;
	s0 =	simm.s32 $0x11800;
	s4 =	simm.s32 $0x12400  }
.LBB2_5:
0x14: {  	_ =	swait.ge [sflag:s28], $0xC000  }
0x15: {  	[sflag:s28] =	ssyncset.done $0x0  }
0x16: {  	s30 =	simm.s32 $0x4;
	[sflag:s28] =	ssyncadd.s32 $0xFFFF4000  }
0x17: {  	_ =	swait.ge [sflag:s30], $0xC000  }
0x18: {  	s31 =	rddreg [dreg:$0x5]  }
0x19: {  	s29 =	rddreg [dreg:$0x4];
	s31 =	sadd.s32 $0x1, s31  }
0x1a: {  	p0 =	sne.s32 s31, s29  }
.Ltmp1:
0x1b: {  	_ = 	snop;
	(pc) =	sbr.rel @!p0 .LBB2_6-.Ltmp1, $3  }
0x1c: {  	_ =	sdelay $0x1  }
0x1d: {  	[sflag:s30] =	ssyncset.done $0x0  }
0x1e: {  	[sflag:s30] =	ssyncadd.s32 $0xFFFF4000  }
.LBB2_1:
0x1f: {  	s29 =	rddreg [dreg:$0x3]  }
0x20: {  	[tilespmem:s3], [sflag:$0x5] =	stream.linear.gather [hbm4b:s29+s3], $0x400, $0x38;
	[tilespmem:$0x18400] =	vst v63  }
0x21: {  	[dreg:$0x5] =	wrdreg s31;
	s29 =	simm.s32 $0x5  }
0x22: {  	_ =	swait.ge [sflag:s29], $0x400  }
0x23: {  	[sflag:s29] =	ssyncset.done $0x0  }
0x24: {  	[sflag:s29] =	ssyncadd.s32 $0xFFFFFC00  }
0x25: {  	v3 =	vld [tilespmem:$0x0];
	_ =	sdelay $0x4  }
0x26: {  	v4 =	vshrl.u32 v3, $0x3  }
0x27: {  	v4 =	vmul.u32 $0x18, v4  }
0x28: {  	v3 =	vand.u32 $0x7, v3  }
0x29: {  	v3 =	vor.u32 v3, v4  }
0x2a: {  	v4 =	vperm.xlane v3, v0;
	_ =	sdelay $0x1  }
0x2b: {  	v4 =	vadd.s32 v1, v4;
	_ =	sdelay $0x1  }
0x2c: {  	v3 =	vperm.xlane v3, v2;
	_ =	sdelay $0x1  }
0x2d: {  	v3 =	vadd.s32 v1, v3  }
0x2e: {  	[tilespmem:s10], [sflag:$0x1] =	stream.indirect_vreg.gather [hbm4b:s2+s3], $0x80, v4, vm0, $0xb8;
	[tilespmem:$0x18400] =	vst v63  }
0x2f: {  	s29 =	simm.s32 $0xC00  }
0x30: {  	[tilespmem:s29], [sflag:$0x1] =	stream.indirect_vreg.gather [hbm4b:s5+s3], $0x80, v4, vm1, $0xb8;
	[tilespmem:$0x18400] =	vst v63  }
0x31: {  	s29 =	simm.s32 $0x1000  }
0x32: {  	[tilespmem:s29], [sflag:$0x1] =	stream.indirect_vreg.gather [hbm4b:s2+s3], $0x80, v3, vm0, $0xb8;
	[tilespmem:$0x18400] =	vst v63  }
0x33: {  	s29 =	simm.s32 $0x1800  }
0x34: {  	[tilespmem:s29], [sflag:$0x1] =	stream.indirect_vreg.gather [hbm4b:s5+s3], $0x80, v3, vm1, $0xb8;
	[tilespmem:$0x18400] =	vst v63  }
0x35: {  	v3 =	vld [tilespmem:$0x10];
	_ =	sdelay $0x4  }
0x36: {  	v57 =	vshrl.u32 v3, $0x3  }
0x37: {  	v4 =	vmul.u32 $0x18, v57  }
0x38: {  	v3 =	vand.u32 $0x7, v3  }
0x39: {  	v3 =	vor.u32 v3, v4  }
0x3a: {  	v4 =	vperm.xlane v3, v0;
	_ =	sdelay $0x1  }
0x3b: {  	v4 =	vadd.s32 v1, v4;
	_ =	sdelay $0x1  }
0x3c: {  	v3 =	vperm.xlane v3, v2;
	_ =	sdelay $0x1  }
0x3d: {  	s29 =	simm.s32 $0x1C00;
	v3 =	vadd.s32 v1, v3  }
0x3e: {  	[tilespmem:s29], [sflag:$0x1] =	stream.indirect_vreg.gather [hbm4b:s2+s3], $0x80, v4, vm0, $0xb8;
	[tilespmem:$0x18400] =	vst v63  }
0x3f: {  	s29 =	simm.s32 $0x2400  }
0x40: {  	[tilespmem:s29], [sflag:$0x1] =	stream.indirect_vreg.gather [hbm4b:s5+s3], $0x80, v4, vm1, $0xb8;
	[tilespmem:$0x18400] =	vst v63  }
0x41: {  	s29 =	simm.s32 $0x2800  }
0x42: {  	[tilespmem:s29], [sflag:$0x1] =	stream.indirect_vreg.gather [hbm4b:s2+s3], $0x80, v3, vm0, $0xb8;
	[tilespmem:$0x18400] =	vst v63  }
0x43: {  	s29 =	simm.s32 $0x3000  }
0x44: {  	[tilespmem:s29], [sflag:$0x1] =	stream.indirect_vreg.gather [hbm4b:s5+s3], $0x80, v3, vm1, $0xb8;
	[tilespmem:$0x18400] =	vst v63  }
0x45: {  	v3 =	vld [tilespmem:$0x20];
	_ =	sdelay $0x4  }
0x46: {  	v58 =	vshrl.u32 v3, $0x3  }
0x47: {  	v4 =	vmul.u32 $0x18, v58  }
0x48: {  	v3 =	vand.u32 $0x7, v3  }
0x49: {  	v3 =	vor.u32 v3, v4  }
0x4a: {  	v4 =	vperm.xlane v3, v0;
	_ =	sdelay $0x1  }
0x4b: {  	v4 =	vadd.s32 v1, v4;
	_ =	sdelay $0x1  }
0x4c: {  	v3 =	vperm.xlane v3, v2;
	_ =	sdelay $0x1  }
0x4d: {  	s29 =	simm.s32 $0x3400;
	v3 =	vadd.s32 v1, v3  }
0x4e: {  	[tilespmem:s29], [sflag:$0x1] =	stream.indirect_vreg.gather [hbm4b:s2+s3], $0x80, v4, vm0, $0xb8;
	[tilespmem:$0x18400] =	vst v63  }
0x4f: {  	s29 =	simm.s32 $0x3C00  }
0x50: {  	[tilespmem:s29], [sflag:$0x1] =	stream.indirect_vreg.gather [hbm4b:s5+s3], $0x80, v4, vm1, $0xb8;
	[tilespmem:$0x18400] =	vst v63  }
0x51: {  	s29 =	simm.s32 $0x4000  }
0x52: {  	[tilespmem:s29], [sflag:$0x1] =	stream.indirect_vreg.gather [hbm4b:s2+s3], $0x80, v3, vm0, $0xb8;
	[tilespmem:$0x18400] =	vst v63  }
0x53: {  	s29 =	simm.s32 $0x4800  }
0x54: {  	[tilespmem:s29], [sflag:$0x1] =	stream.indirect_vreg.gather [hbm4b:s5+s3], $0x80, v3, vm1, $0xb8;
	[tilespmem:$0x18400] =	vst v63  }
0x55: {  	v3 =	vld [tilespmem:$0x30];
	_ =	sdelay $0x4  }
0x56: {  	v59 =	vshrl.u32 v3, $0x3  }
0x57: {  	v4 =	vmul.u32 $0x18, v59  }
0x58: {  	v3 =	vand.u32 $0x7, v3  }
0x59: {  	v3 =	vor.u32 v3, v4  }
0x5a: {  	v4 =	vperm.xlane v3, v0;
	_ =	sdelay $0x1  }
0x5b: {  	v4 =	vadd.s32 v1, v4;
	_ =	sdelay $0x1  }
0x5c: {  	v3 =	vperm.xlane v3, v2;
	_ =	sdelay $0x1  }
0x5d: {  	s29 =	simm.s32 $0x4C00;
	v3 =	vadd.s32 v1, v3  }
0x5e: {  	[tilespmem:s29], [sflag:$0x1] =	stream.indirect_vreg.gather [hbm4b:s2+s3], $0x80, v4, vm0, $0xb8;
	[tilespmem:$0x18400] =	vst v63  }
0x5f: {  	s29 =	simm.s32 $0x5400  }
0x60: {  	[tilespmem:s29], [sflag:$0x1] =	stream.indirect_vreg.gather [hbm4b:s5+s3], $0x80, v4, vm1, $0xb8;
	[tilespmem:$0x18400] =	vst v63  }
0x61: {  	s29 =	simm.s32 $0x5800  }
0x62: {  	[tilespmem:s29], [sflag:$0x1] =	stream.indirect_vreg.gather [hbm4b:s2+s3], $0x80, v3, vm0, $0xb8;
	[tilespmem:$0x18400] =	vst v63  }
0x63: {  	s29 =	simm.s32 $0x6000  }
0x64: {  	[tilespmem:s29], [sflag:$0x1] =	stream.indirect_vreg.gather [hbm4b:s5+s3], $0x80, v3, vm1, $0xb8;
	[tilespmem:$0x18400] =	vst v63  }
0x65: {  	v3 =	vld [tilespmem:$0x40];
	_ =	sdelay $0x4  }
0x66: {  	v60 =	vshrl.u32 v3, $0x3  }
0x67: {  	v4 =	vmul.u32 $0x18, v60  }
0x68: {  	v3 =	vand.u32 $0x7, v3  }
0x69: {  	v3 =	vor.u32 v3, v4  }
0x6a: {  	v4 =	vperm.xlane v3, v0;
	_ =	sdelay $0x1  }
0x6b: {  	v4 =	vadd.s32 v1, v4;
	_ =	sdelay $0x1  }
0x6c: {  	v3 =	vperm.xlane v3, v2;
	_ =	sdelay $0x1  }
0x6d: {  	s29 =	simm.s32 $0x6400;
	v3 =	vadd.s32 v1, v3  }
0x6e: {  	[tilespmem:s29], [sflag:$0x1] =	stream.indirect_vreg.gather [hbm4b:s2+s3], $0x80, v4, vm0, $0xb8;
	[tilespmem:$0x18400] =	vst v63  }
0x6f: {  	s29 =	simm.s32 $0x6C00  }
0x70: {  	[tilespmem:s29], [sflag:$0x1] =	stream.indirect_vreg.gather [hbm4b:s5+s3], $0x80, v4, vm1, $0xb8;
	[tilespmem:$0x18400] =	vst v63  }
0x71: {  	s29 =	simm.s32 $0x7000  }
0x72: {  	[tilespmem:s29], [sflag:$0x1] =	stream.indirect_vreg.gather [hbm4b:s2+s3], $0x80, v3, vm0, $0xb8;
	[tilespmem:$0x18400] =	vst v63  }
0x73: {  	s29 =	simm.s32 $0x7800  }
0x74: {  	[tilespmem:s29], [sflag:$0x1] =	stream.indirect_vreg.gather [hbm4b:s5+s3], $0x80, v3, vm1, $0xb8;
	[tilespmem:$0x18400] =	vst v63  }
0x75: {  	v3 =	vld [tilespmem:$0x50];
	_ =	sdelay $0x4  }
0x76: {  	v61 =	vshrl.u32 v3, $0x3  }
0x77: {  	v4 =	vmul.u32 $0x18, v61  }
0x78: {  	v3 =	vand.u32 $0x7, v3  }
0x79: {  	v3 =	vor.u32 v3, v4  }
0x7a: {  	v4 =	vperm.xlane v3, v0;
	_ =	sdelay $0x1  }
0x7b: {  	v4 =	vadd.s32 v1, v4;
	_ =	sdelay $0x1  }
0x7c: {  	v3 =	vperm.xlane v3, v2;
	_ =	sdelay $0x1  }
0x7d: {  	s29 =	simm.s32 $0x7C00;
	v3 =	vadd.s32 v1, v3  }
0x7e: {  	[tilespmem:s29], [sflag:$0x1] =	stream.indirect_vreg.gather [hbm4b:s2+s3], $0x80, v4, vm0, $0xb8;
	[tilespmem:$0x18400] =	vst v63  }
0x7f: {  	s29 =	simm.s32 $0x8400  }
0x80: {  	[tilespmem:s29], [sflag:$0x1] =	stream.indirect_vreg.gather [hbm4b:s5+s3], $0x80, v4, vm1, $0xb8;
	[tilespmem:$0x18400] =	vst v63  }
0x81: {  	s29 =	simm.s32 $0x8800  }
0x82: {  	[tilespmem:s29], [sflag:$0x1] =	stream.indirect_vreg.gather [hbm4b:s2+s3], $0x80, v3, vm0, $0xb8;
	[tilespmem:$0x18400] =	vst v63  }
0x83: {  	s29 =	simm.s32 $0x9000  }
0x84: {  	[tilespmem:s29], [sflag:$0x1] =	stream.indirect_vreg.gather [hbm4b:s5+s3], $0x80, v3, vm1, $0xb8;
	[tilespmem:$0x18400] =	vst v63  }
0x85: {  	v3 =	vld [tilespmem:$0x60];
	_ =	sdelay $0x4  }
0x86: {  	v62 =	vshrl.u32 v3, $0x3  }
0x87: {  	v4 =	vmul.u32 $0x18, v62  }
0x88: {  	v3 =	vand.u32 $0x7, v3  }
0x89: {  	v3 =	vor.u32 v3, v4  }
0x8a: {  	v4 =	vperm.xlane v3, v0;
	_ =	sdelay $0x1  }
0x8b: {  	v4 =	vadd.s32 v1, v4;
	_ =	sdelay $0x1  }
0x8c: {  	v3 =	vperm.xlane v3, v2;
	_ =	sdelay $0x1  }
0x8d: {  	s29 =	simm.s32 $0x9400;
	v3 =	vadd.s32 v1, v3  }
0x8e: {  	[tilespmem:s29], [sflag:$0x1] =	stream.indirect_vreg.gather [hbm4b:s2+s3], $0x80, v4, vm0, $0xb8;
	[tilespmem:$0x18400] =	vst v63  }
0x8f: {  	s29 =	simm.s32 $0x9C00  }
0x90: {  	[tilespmem:s29], [sflag:$0x1] =	stream.indirect_vreg.gather [hbm4b:s5+s3], $0x80, v4, vm1, $0xb8;
	[tilespmem:$0x18400] =	vst v63  }
0x91: {  	s29 =	simm.s32 $0xA000  }
0x92: {  	[tilespmem:s29], [sflag:$0x1] =	stream.indirect_vreg.gather [hbm4b:s2+s3], $0x80, v3, vm0, $0xb8;
	[tilespmem:$0x18400] =	vst v63  }
0x93: {  	s29 =	simm.s32 $0xA800  }
0x94: {  	[tilespmem:s29], [sflag:$0x1] =	stream.indirect_vreg.gather [hbm4b:s5+s3], $0x80, v3, vm1, $0xb8;
	[tilespmem:$0x18400] =	vst v63  }
0x95: {  	v3 =	vld [tilespmem:$0x70];
	_ =	sdelay $0x4  }
0x96: {  	v63 =	vshrl.u32 v3, $0x3  }
0x97: {  	v4 =	vmul.u32 $0x18, v63  }
0x98: {  	v3 =	vand.u32 $0x7, v3  }
0x99: {  	v3 =	vor.u32 v3, v4  }
0x9a: {  	v4 =	vperm.xlane v3, v0;
	_ =	sdelay $0x1  }
0x9b: {  	v4 =	vadd.s32 v1, v4;
	_ =	sdelay $0x1  }
0x9c: {  	v3 =	vperm.xlane v3, v2;
	_ =	sdelay $0x1  }
0x9d: {  	s29 =	simm.s32 $0xAC00;
	v3 =	vadd.s32 v1, v3  }
0x9e: {  	[tilespmem:s29], [sflag:$0x1] =	stream.indirect_vreg.gather [hbm4b:s2+s3], $0x80, v4, vm0, $0xb8;
	[tilespmem:$0x18400] =	vst v63  }
0x9f: {  	s29 =	simm.s32 $0xB400  }
0xa0: {  	[tilespmem:s29], [sflag:$0x1] =	stream.indirect_vreg.gather [hbm4b:s5+s3], $0x80, v4, vm1, $0xb8;
	[tilespmem:$0x18400] =	vst v63  }
.Ltmp2:
0xa1: {  	s29 =	simm.s32 $0xB800;
	(pc) =	sbr.rel .LBB2_2-.Ltmp2, $4  }
0xa2: {  	[tilespmem:s29], [sflag:$0x1] =	stream.indirect_vreg.gather [hbm4b:s2+s3], $0x80, v3, vm0, $0xb8;
	[tilespmem:$0x18400] =	vst v63  }
0xa3: {  	s29 =	simm.s32 $0xC000  }
0xa4: {  	[tilespmem:s29], [sflag:$0x1] =	stream.indirect_vreg.gather [hbm4b:s5+s3], $0x80, v3, vm1, $0xb8;
	[tilespmem:$0x18400] =	vst v63  }
0xa5: {  	s30 =	simm.s32 $0x0;
	s29 =	simm.s32 $0xC0  }
.LBB2_4:
0xa6: {  	s31 =	sadd.s32 s30, s8;
	s30 =	sadd.s32 $0x3000, s30  }
0xa7: {  	p0 =	sne.s32 s30, $0xC000  }
.Ltmp3:
0xa8: {  	_ = 	snop;
	(pc) =	sbr.rel @!p0 .LBB2_5-.Ltmp3, $4  }
0xa9: {  	_ =	swait.ge [sflag:s26], $0xC000  }
0xaa: {  	[sflag:s26] =	ssyncset.done $0x0  }
0xab: {  	s29 =	sadd.s32 $0x100, s29;
	[sflag:s26] =	ssyncadd.s32 $0xFFFF4000  }
0xac: {  	[hbm4b:s31+s3] =	stream.linear.scatter [tilespmem:s17], [sflag:$0x4], $0xC000, $0x38;
	[tilespmem:$0x18400] =	vst v63  }
.LBB2_2:
0xad: {  	p0 =	seq.s32 s30, $0x0  }
0xae: {  	s31 =	simm.s32 @!p0 $0x4  }
0xaf: {  	_ =	swait.ge @!p0 [sflag:s31], $0xC000  }
0xb0: {  	[sflag:s31] =	ssyncset.done @!p0 $0x0  }
0xb1: {  	[sflag:s31] =	ssyncadd.s32 @!p0 $0xFFFF4000  }
0xb2: {  	v3 =	vld [tilespmem:s29+$0xFFFFFFC0];
	_ =	sdelay $0x4  }
0xb3: {  	v4 =	vshrl.u32 v3, $0x3  }
0xb4: {  	v4 =	vmul.u32 $0x18, v4  }
0xb5: {  	v3 =	vand.u32 $0x7, v3  }
0xb6: {  	v3 =	vor.u32 v3, v4  }
0xb7: {  	v4 =	vperm.xlane v3, v0;
	_ =	sdelay $0x1  }
0xb8: {  	v4 =	vadd.s32 v1, v4;
	_ =	sdelay $0x1  }
0xb9: {  	v3 =	vperm.xlane v3, v2;
	_ =	sdelay $0x1  }
0xba: {  	v3 =	vadd.s32 v1, v3  }
0xbb: {  	[tilespmem:s17], [sflag:$0x2] =	stream.indirect_vreg.gather [hbm4b:s2+s3], $0x80, v4, vm0, $0xb8;
	[tilespmem:$0x18400] =	vst v63  }
0xbc: {  	s31 =	simm.s32 $0xCC00  }
0xbd: {  	[tilespmem:s31], [sflag:$0x2] =	stream.indirect_vreg.gather [hbm4b:s5+s3], $0x80, v4, vm1, $0xb8;
	[tilespmem:$0x18400] =	vst v63  }
0xbe: {  	s31 =	simm.s32 $0xD000  }
0xbf: {  	[tilespmem:s31], [sflag:$0x2] =	stream.indirect_vreg.gather [hbm4b:s2+s3], $0x80, v3, vm0, $0xb8;
	[tilespmem:$0x18400] =	vst v63  }
0xc0: {  	s31 =	simm.s32 $0xD800  }
0xc1: {  	[tilespmem:s31], [sflag:$0x2] =	stream.indirect_vreg.gather [hbm4b:s5+s3], $0x80, v3, vm1, $0xb8;
	[tilespmem:$0x18400] =	vst v63  }
0xc2: {  	v3 =	vld [tilespmem:s29+$0xFFFFFFD0];
	_ =	sdelay $0x4  }
0xc3: {  	v57 =	vshrl.u32 v3, $0x3  }
0xc4: {  	v4 =	vmul.u32 $0x18, v57  }
0xc5: {  	v3 =	vand.u32 $0x7, v3  }
0xc6: {  	v3 =	vor.u32 v3, v4  }
0xc7: {  	v4 =	vperm.xlane v3, v0;
	_ =	sdelay $0x1  }
0xc8: {  	v4 =	vadd.s32 v1, v4;
	_ =	sdelay $0x1  }
0xc9: {  	v3 =	vperm.xlane v3, v2;
	_ =	sdelay $0x1  }
0xca: {  	s31 =	simm.s32 $0xDC00;
	v3 =	vadd.s32 v1, v3  }
0xcb: {  	[tilespmem:s31], [sflag:$0x2] =	stream.indirect_vreg.gather [hbm4b:s2+s3], $0x80, v4, vm0, $0xb8;
	[tilespmem:$0x18400] =	vst v63  }
0xcc: {  	s31 =	simm.s32 $0xE400  }
0xcd: {  	[tilespmem:s31], [sflag:$0x2] =	stream.indirect_vreg.gather [hbm4b:s5+s3], $0x80, v4, vm1, $0xb8;
	[tilespmem:$0x18400] =	vst v63  }
0xce: {  	s31 =	simm.s32 $0xE800  }
0xcf: {  	[tilespmem:s31], [sflag:$0x2] =	stream.indirect_vreg.gather [hbm4b:s2+s3], $0x80, v3, vm0, $0xb8;
	[tilespmem:$0x18400] =	vst v63  }
0xd0: {  	s31 =	simm.s32 $0xF000  }
0xd1: {  	[tilespmem:s31], [sflag:$0x2] =	stream.indirect_vreg.gather [hbm4b:s5+s3], $0x80, v3, vm1, $0xb8;
	[tilespmem:$0x18400] =	vst v63  }
0xd2: {  	v3 =	vld [tilespmem:s29+$0xFFFFFFE0];
	_ =	sdelay $0x4  }
0xd3: {  	v58 =	vshrl.u32 v3, $0x3  }
0xd4: {  	v4 =	vmul.u32 $0x18, v58  }
0xd5: {  	v3 =	vand.u32 $0x7, v3  }
0xd6: {  	v3 =	vor.u32 v3, v4  }
0xd7: {  	v4 =	vperm.xlane v3, v0;
	_ =	sdelay $0x1  }
0xd8: {  	v4 =	vadd.s32 v1, v4;
	_ =	sdelay $0x1  }
0xd9: {  	v3 =	vperm.xlane v3, v2;
	_ =	sdelay $0x1  }
0xda: {  	s31 =	simm.s32 $0xF400;
	v3 =	vadd.s32 v1, v3  }
0xdb: {  	[tilespmem:s31], [sflag:$0x2] =	stream.indirect_vreg.gather [hbm4b:s2+s3], $0x80, v4, vm0, $0xb8;
	[tilespmem:$0x18400] =	vst v63  }
0xdc: {  	s31 =	simm.s32 $0xFC00  }
0xdd: {  	[tilespmem:s31], [sflag:$0x2] =	stream.indirect_vreg.gather [hbm4b:s5+s3], $0x80, v4, vm1, $0xb8;
	[tilespmem:$0x18400] =	vst v63  }
0xde: {  	s31 =	simm.s32 $0x10000  }
0xdf: {  	[tilespmem:s31], [sflag:$0x2] =	stream.indirect_vreg.gather [hbm4b:s2+s3], $0x80, v3, vm0, $0xb8;
	[tilespmem:$0x18400] =	vst v63  }
0xe0: {  	s31 =	simm.s32 $0x10800  }
0xe1: {  	[tilespmem:s31], [sflag:$0x2] =	stream.indirect_vreg.gather [hbm4b:s5+s3], $0x80, v3, vm1, $0xb8;
	[tilespmem:$0x18400] =	vst v63  }
0xe2: {  	v3 =	vld [tilespmem:s29+$0xFFFFFFF0];
	_ =	sdelay $0x4  }
0xe3: {  	v59 =	vshrl.u32 v3, $0x3  }
0xe4: {  	v4 =	vmul.u32 $0x18, v59  }
0xe5: {  	v3 =	vand.u32 $0x7, v3  }
0xe6: {  	v3 =	vor.u32 v3, v4  }
0xe7: {  	v4 =	vperm.xlane v3, v0;
	_ =	sdelay $0x1  }
0xe8: {  	v4 =	vadd.s32 v1, v4;
	_ =	sdelay $0x1  }
0xe9: {  	v3 =	vperm.xlane v3, v2;
	_ =	sdelay $0x1  }
0xea: {  	s31 =	simm.s32 $0x10C00;
	v3 =	vadd.s32 v1, v3  }
0xeb: {  	[tilespmem:s31], [sflag:$0x2] =	stream.indirect_vreg.gather [hbm4b:s2+s3], $0x80, v4, vm0, $0xb8;
	[tilespmem:$0x18400] =	vst v63  }
0xec: {  	s31 =	simm.s32 $0x11400  }
0xed: {  	[tilespmem:s31], [sflag:$0x2] =	stream.indirect_vreg.gather [hbm4b:s5+s3], $0x80, v4, vm1, $0xb8;
	[tilespmem:$0x18400] =	vst v63  }
0xee: {  	_ = 	snop  }
0xef: {  	[tilespmem:s0], [sflag:$0x2] =	stream.indirect_vreg.gather [hbm4b:s2+s3], $0x80, v3, vm0, $0xb8;
	[tilespmem:$0x18400] =	vst v63  }
0xf0: {  	_ = 	snop  }
0xf1: {  	[tilespmem:s1], [sflag:$0x2] =	stream.indirect_vreg.gather [hbm4b:s5+s3], $0x80, v3, vm1, $0xb8;
	[tilespmem:$0x18400] =	vst v63  }
0xf2: {  	v3 =	vld [tilespmem:s29+$0x0];
	_ =	sdelay $0x4  }
0xf3: {  	v60 =	vshrl.u32 v3, $0x3  }
0xf4: {  	v4 =	vmul.u32 $0x18, v60  }
0xf5: {  	v3 =	vand.u32 $0x7, v3  }
0xf6: {  	v3 =	vor.u32 v3, v4  }
0xf7: {  	v4 =	vperm.xlane v3, v0;
	_ =	sdelay $0x1  }
0xf8: {  	v4 =	vadd.s32 v1, v4;
	_ =	sdelay $0x1  }
0xf9: {  	v3 =	vperm.xlane v3, v2;
	_ =	sdelay $0x1  }
0xfa: {  	v3 =	vadd.s32 v1, v3  }
0xfb: {  	[tilespmem:s4], [sflag:$0x2] =	stream.indirect_vreg.gather [hbm4b:s2+s3], $0x80, v4, vm0, $0xb8;
	[tilespmem:$0x18400] =	vst v63  }
0xfc: {  	_ = 	snop  }
0xfd: {  	[tilespmem:s6], [sflag:$0x2] =	stream.indirect_vreg.gather [hbm4b:s5+s3], $0x80, v4, vm1, $0xb8;
	[tilespmem:$0x18400] =	vst v63  }
0xfe: {  	_ = 	snop  }
0xff: {  	[tilespmem:s9], [sflag:$0x2] =	stream.indirect_vreg.gather [hbm4b:s2+s3], $0x80, v3, vm0, $0xb8;
	[tilespmem:$0x18400] =	vst v63  }
0x100: {  	_ = 	snop  }
0x101: {  	[tilespmem:s11], [sflag:$0x2] =	stream.indirect_vreg.gather [hbm4b:s5+s3], $0x80, v3, vm1, $0xb8;
	[tilespmem:$0x18400] =	vst v63  }
0x102: {  	v3 =	vld [tilespmem:s29+$0x10];
	_ =	sdelay $0x4  }
0x103: {  	v61 =	vshrl.u32 v3, $0x3  }
0x104: {  	v4 =	vmul.u32 $0x18, v61  }
0x105: {  	v3 =	vand.u32 $0x7, v3  }
0x106: {  	v3 =	vor.u32 v3, v4  }
0x107: {  	v4 =	vperm.xlane v3, v0;
	_ =	sdelay $0x1  }
0x108: {  	v4 =	vadd.s32 v1, v4;
	_ =	sdelay $0x1  }
0x109: {  	v3 =	vperm.xlane v3, v2;
	_ =	sdelay $0x1  }
0x10a: {  	v3 =	vadd.s32 v1, v3  }
0x10b: {  	[tilespmem:s12], [sflag:$0x2] =	stream.indirect_vreg.gather [hbm4b:s2+s3], $0x80, v4, vm0, $0xb8;
	[tilespmem:$0x18400] =	vst v63  }
0x10c: {  	_ = 	snop  }
0x10d: {  	[tilespmem:s13], [sflag:$0x2] =	stream.indirect_vreg.gather [hbm4b:s5+s3], $0x80, v4, vm1, $0xb8;
	[tilespmem:$0x18400] =	vst v63  }
0x10e: {  	_ = 	snop  }
0x10f: {  	[tilespmem:s14], [sflag:$0x2] =	stream.indirect_vreg.gather [hbm4b:s2+s3], $0x80, v3, vm0, $0xb8;
	[tilespmem:$0x18400] =	vst v63  }
0x110: {  	_ = 	snop  }
0x111: {  	[tilespmem:s15], [sflag:$0x2] =	stream.indirect_vreg.gather [hbm4b:s5+s3], $0x80, v3, vm1, $0xb8;
	[tilespmem:$0x18400] =	vst v63  }
0x112: {  	v3 =	vld [tilespmem:s29+$0x20];
	_ =	sdelay $0x4  }
0x113: {  	v62 =	vshrl.u32 v3, $0x3  }
0x114: {  	v4 =	vmul.u32 $0x18, v62  }
0x115: {  	v3 =	vand.u32 $0x7, v3  }
0x116: {  	v3 =	vor.u32 v3, v4  }
0x117: {  	v4 =	vperm.xlane v3, v0;
	_ =	sdelay $0x1  }
0x118: {  	v4 =	vadd.s32 v1, v4;
	_ =	sdelay $0x1  }
0x119: {  	v3 =	vperm.xlane v3, v2;
	_ =	sdelay $0x1  }
0x11a: {  	v3 =	vadd.s32 v1, v3  }
0x11b: {  	[tilespmem:s16], [sflag:$0x2] =	stream.indirect_vreg.gather [hbm4b:s2+s3], $0x80, v4, vm0, $0xb8;
	[tilespmem:$0x18400] =	vst v63  }
0x11c: {  	_ = 	snop  }
0x11d: {  	[tilespmem:s18], [sflag:$0x2] =	stream.indirect_vreg.gather [hbm4b:s5+s3], $0x80, v4, vm1, $0xb8;
	[tilespmem:$0x18400] =	vst v63  }
0x11e: {  	_ = 	snop  }
0x11f: {  	[tilespmem:s19], [sflag:$0x2] =	stream.indirect_vreg.gather [hbm4b:s2+s3], $0x80, v3, vm0, $0xb8;
	[tilespmem:$0x18400] =	vst v63  }
0x120: {  	_ = 	snop  }
0x121: {  	[tilespmem:s20], [sflag:$0x2] =	stream.indirect_vreg.gather [hbm4b:s5+s3], $0x80, v3, vm1, $0xb8;
	[tilespmem:$0x18400] =	vst v63  }
0x122: {  	v3 =	vld [tilespmem:s29+$0x30];
	_ =	sdelay $0x4  }
0x123: {  	v63 =	vshrl.u32 v3, $0x3  }
0x124: {  	v4 =	vmul.u32 $0x18, v63  }
0x125: {  	v3 =	vand.u32 $0x7, v3  }
0x126: {  	v3 =	vor.u32 v3, v4  }
0x127: {  	v4 =	vperm.xlane v3, v0;
	_ =	sdelay $0x1  }
0x128: {  	v4 =	vadd.s32 v1, v4;
	_ =	sdelay $0x1  }
0x129: {  	v3 =	vperm.xlane v3, v2;
	_ =	sdelay $0x1  }
0x12a: {  	v3 =	vadd.s32 v1, v3  }
0x12b: {  	[tilespmem:s21], [sflag:$0x2] =	stream.indirect_vreg.gather [hbm4b:s2+s3], $0x80, v4, vm0, $0xb8;
	[tilespmem:$0x18400] =	vst v63  }
0x12c: {  	_ = 	snop  }
0x12d: {  	[tilespmem:s22], [sflag:$0x2] =	stream.indirect_vreg.gather [hbm4b:s5+s3], $0x80, v4, vm1, $0xb8;
	[tilespmem:$0x18400] =	vst v63  }
0x12e: {  	_ = 	snop  }
0x12f: {  	[tilespmem:s23], [sflag:$0x2] =	stream.indirect_vreg.gather [hbm4b:s2+s3], $0x80, v3, vm0, $0xb8;
	[tilespmem:$0x18400] =	vst v63  }
0x130: {  	p0 =	seq.s32 s30, $0x9000  }
0x131: {  	[tilespmem:s24], [sflag:$0x2] =	stream.indirect_vreg.gather [hbm4b:s5+s3], $0x80, v3, vm1, $0xb8;
	[tilespmem:$0x18400] =	vst v63  }
.Ltmp4:
0x132: {  	_ = 	snop;
	(pc) =	sbr.rel @p0 .LBB2_4-.Ltmp4, $4  }
0x133: {  	_ =	swait.ge [sflag:s25], $0xC000  }
0x134: {  	[sflag:s25] =	ssyncset.done $0x0  }
0x135: {  	s31 =	sadd.s32 s30, s7;
	[sflag:s25] =	ssyncadd.s32 $0xFFFF4000  }
0x136: {  	[hbm4b:s31+s3] =	stream.linear.scatter [tilespmem:s10], [sflag:$0x3], $0xC000, $0x38;
	[tilespmem:$0x18400] =	vst v63  }
0x137: {  	_ =	swait.ge [sflag:s28], $0xC000  }
0x138: {  	[sflag:s28] =	ssyncset.done $0x0  }
0x139: {  	[sflag:s28] =	ssyncadd.s32 $0xFFFF4000  }
0x13a: {  	v3 =	vld [tilespmem:s29+$0x40];
	_ =	sdelay $0x4  }
0x13b: {  	v4 =	vshrl.u32 v3, $0x3  }
0x13c: {  	v4 =	vmul.u32 $0x18, v4  }
0x13d: {  	v3 =	vand.u32 $0x7, v3  }
0x13e: {  	v3 =	vor.u32 v3, v4  }
0x13f: {  	v4 =	vperm.xlane v3, v0;
	_ =	sdelay $0x1  }
0x140: {  	v4 =	vadd.s32 v1, v4;
	_ =	sdelay $0x1  }
0x141: {  	v3 =	vperm.xlane v3, v2;
	_ =	sdelay $0x1  }
0x142: {  	v3 =	vadd.s32 v1, v3  }
0x143: {  	[tilespmem:s10], [sflag:$0x1] =	stream.indirect_vreg.gather [hbm4b:s2+s3], $0x80, v4, vm0, $0xb8;
	[tilespmem:$0x18400] =	vst v63  }
0x144: {  	s31 =	simm.s32 $0xC00  }
0x145: {  	[tilespmem:s31], [sflag:$0x1] =	stream.indirect_vreg.gather [hbm4b:s5+s3], $0x80, v4, vm1, $0xb8;
	[tilespmem:$0x18400] =	vst v63  }
0x146: {  	s31 =	simm.s32 $0x1000  }
0x147: {  	[tilespmem:s31], [sflag:$0x1] =	stream.indirect_vreg.gather [hbm4b:s2+s3], $0x80, v3, vm0, $0xb8;
	[tilespmem:$0x18400] =	vst v63  }
0x148: {  	s31 =	simm.s32 $0x1800  }
0x149: {  	[tilespmem:s31], [sflag:$0x1] =	stream.indirect_vreg.gather [hbm4b:s5+s3], $0x80, v3, vm1, $0xb8;
	[tilespmem:$0x18400] =	vst v63  }
0x14a: {  	v3 =	vld [tilespmem:s29+$0x50];
	_ =	sdelay $0x4  }
0x14b: {  	v57 =	vshrl.u32 v3, $0x3  }
0x14c: {  	v4 =	vmul.u32 $0x18, v57  }
0x14d: {  	v3 =	vand.u32 $0x7, v3  }
0x14e: {  	v3 =	vor.u32 v3, v4  }
0x14f: {  	v4 =	vperm.xlane v3, v0;
	_ =	sdelay $0x1  }
0x150: {  	v4 =	vadd.s32 v1, v4;
	_ =	sdelay $0x1  }
0x151: {  	v3 =	vperm.xlane v3, v2;
	_ =	sdelay $0x1  }
0x152: {  	s31 =	simm.s32 $0x1C00;
	v3 =	vadd.s32 v1, v3  }
0x153: {  	[tilespmem:s31], [sflag:$0x1] =	stream.indirect_vreg.gather [hbm4b:s2+s3], $0x80, v4, vm0, $0xb8;
	[tilespmem:$0x18400] =	vst v63  }
0x154: {  	s31 =	simm.s32 $0x2400  }
0x155: {  	[tilespmem:s31], [sflag:$0x1] =	stream.indirect_vreg.gather [hbm4b:s5+s3], $0x80, v4, vm1, $0xb8;
	[tilespmem:$0x18400] =	vst v63  }
0x156: {  	s31 =	simm.s32 $0x2800  }
0x157: {  	[tilespmem:s31], [sflag:$0x1] =	stream.indirect_vreg.gather [hbm4b:s2+s3], $0x80, v3, vm0, $0xb8;
	[tilespmem:$0x18400] =	vst v63  }
0x158: {  	s31 =	simm.s32 $0x3000  }
0x159: {  	[tilespmem:s31], [sflag:$0x1] =	stream.indirect_vreg.gather [hbm4b:s5+s3], $0x80, v3, vm1, $0xb8;
	[tilespmem:$0x18400] =	vst v63  }
0x15a: {  	v3 =	vld [tilespmem:s29+$0x60];
	_ =	sdelay $0x4  }
0x15b: {  	v58 =	vshrl.u32 v3, $0x3  }
0x15c: {  	v4 =	vmul.u32 $0x18, v58  }
0x15d: {  	v3 =	vand.u32 $0x7, v3  }
0x15e: {  	v3 =	vor.u32 v3, v4  }
0x15f: {  	v4 =	vperm.xlane v3, v0;
	_ =	sdelay $0x1  }
0x160: {  	v4 =	vadd.s32 v1, v4;
	_ =	sdelay $0x1  }
0x161: {  	v3 =	vperm.xlane v3, v2;
	_ =	sdelay $0x1  }
0x162: {  	s31 =	simm.s32 $0x3400;
	v3 =	vadd.s32 v1, v3  }
0x163: {  	[tilespmem:s31], [sflag:$0x1] =	stream.indirect_vreg.gather [hbm4b:s2+s3], $0x80, v4, vm0, $0xb8;
	[tilespmem:$0x18400] =	vst v63  }
0x164: {  	s31 =	simm.s32 $0x3C00  }
0x165: {  	[tilespmem:s31], [sflag:$0x1] =	stream.indirect_vreg.gather [hbm4b:s5+s3], $0x80, v4, vm1, $0xb8;
	[tilespmem:$0x18400] =	vst v63  }
0x166: {  	s31 =	simm.s32 $0x4000  }
0x167: {  	[tilespmem:s31], [sflag:$0x1] =	stream.indirect_vreg.gather [hbm4b:s2+s3], $0x80, v3, vm0, $0xb8;
	[tilespmem:$0x18400] =	vst v63  }
0x168: {  	s31 =	simm.s32 $0x4800  }
0x169: {  	[tilespmem:s31], [sflag:$0x1] =	stream.indirect_vreg.gather [hbm4b:s5+s3], $0x80, v3, vm1, $0xb8;
	[tilespmem:$0x18400] =	vst v63  }
0x16a: {  	v3 =	vld [tilespmem:s29+$0x70];
	_ =	sdelay $0x4  }
0x16b: {  	v59 =	vshrl.u32 v3, $0x3  }
0x16c: {  	v4 =	vmul.u32 $0x18, v59  }
0x16d: {  	v3 =	vand.u32 $0x7, v3  }
0x16e: {  	v3 =	vor.u32 v3, v4  }
0x16f: {  	v4 =	vperm.xlane v3, v0;
	_ =	sdelay $0x1  }
0x170: {  	v4 =	vadd.s32 v1, v4;
	_ =	sdelay $0x1  }
0x171: {  	v3 =	vperm.xlane v3, v2;
	_ =	sdelay $0x1  }
0x172: {  	s31 =	simm.s32 $0x4C00;
	v3 =	vadd.s32 v1, v3  }
0x173: {  	[tilespmem:s31], [sflag:$0x1] =	stream.indirect_vreg.gather [hbm4b:s2+s3], $0x80, v4, vm0, $0xb8;
	[tilespmem:$0x18400] =	vst v63  }
0x174: {  	s31 =	simm.s32 $0x5400  }
0x175: {  	[tilespmem:s31], [sflag:$0x1] =	stream.indirect_vreg.gather [hbm4b:s5+s3], $0x80, v4, vm1, $0xb8;
	[tilespmem:$0x18400] =	vst v63  }
0x176: {  	s31 =	simm.s32 $0x5800  }
0x177: {  	[tilespmem:s31], [sflag:$0x1] =	stream.indirect_vreg.gather [hbm4b:s2+s3], $0x80, v3, vm0, $0xb8;
	[tilespmem:$0x18400] =	vst v63  }
0x178: {  	s31 =	simm.s32 $0x6000  }
0x179: {  	[tilespmem:s31], [sflag:$0x1] =	stream.indirect_vreg.gather [hbm4b:s5+s3], $0x80, v3, vm1, $0xb8;
	[tilespmem:$0x18400] =	vst v63  }
0x17a: {  	v3 =	vld [tilespmem:s29+$0x80];
	_ =	sdelay $0x4  }
0x17b: {  	v60 =	vshrl.u32 v3, $0x3  }
0x17c: {  	v4 =	vmul.u32 $0x18, v60  }
0x17d: {  	v3 =	vand.u32 $0x7, v3  }
0x17e: {  	v3 =	vor.u32 v3, v4  }
0x17f: {  	v4 =	vperm.xlane v3, v0;
	_ =	sdelay $0x1  }
0x180: {  	v4 =	vadd.s32 v1, v4;
	_ =	sdelay $0x1  }
0x181: {  	v3 =	vperm.xlane v3, v2;
	_ =	sdelay $0x1  }
0x182: {  	s31 =	simm.s32 $0x6400;
	v3 =	vadd.s32 v1, v3  }
0x183: {  	[tilespmem:s31], [sflag:$0x1] =	stream.indirect_vreg.gather [hbm4b:s2+s3], $0x80, v4, vm0, $0xb8;
	[tilespmem:$0x18400] =	vst v63  }
0x184: {  	s31 =	simm.s32 $0x6C00  }
0x185: {  	[tilespmem:s31], [sflag:$0x1] =	stream.indirect_vreg.gather [hbm4b:s5+s3], $0x80, v4, vm1, $0xb8;
	[tilespmem:$0x18400] =	vst v63  }
0x186: {  	s31 =	simm.s32 $0x7000  }
0x187: {  	[tilespmem:s31], [sflag:$0x1] =	stream.indirect_vreg.gather [hbm4b:s2+s3], $0x80, v3, vm0, $0xb8;
	[tilespmem:$0x18400] =	vst v63  }
0x188: {  	s31 =	simm.s32 $0x7800  }
0x189: {  	[tilespmem:s31], [sflag:$0x1] =	stream.indirect_vreg.gather [hbm4b:s5+s3], $0x80, v3, vm1, $0xb8;
	[tilespmem:$0x18400] =	vst v63  }
0x18a: {  	v3 =	vld [tilespmem:s29+$0x90];
	_ =	sdelay $0x4  }
0x18b: {  	v61 =	vshrl.u32 v3, $0x3  }
0x18c: {  	v4 =	vmul.u32 $0x18, v61  }
0x18d: {  	v3 =	vand.u32 $0x7, v3  }
0x18e: {  	v3 =	vor.u32 v3, v4  }
0x18f: {  	v4 =	vperm.xlane v3, v0;
	_ =	sdelay $0x1  }
0x190: {  	v4 =	vadd.s32 v1, v4;
	_ =	sdelay $0x1  }
0x191: {  	v3 =	vperm.xlane v3, v2;
	_ =	sdelay $0x1  }
0x192: {  	s31 =	simm.s32 $0x7C00;
	v3 =	vadd.s32 v1, v3  }
0x193: {  	[tilespmem:s31], [sflag:$0x1] =	stream.indirect_vreg.gather [hbm4b:s2+s3], $0x80, v4, vm0, $0xb8;
	[tilespmem:$0x18400] =	vst v63  }
0x194: {  	s31 =	simm.s32 $0x8400  }
0x195: {  	[tilespmem:s31], [sflag:$0x1] =	stream.indirect_vreg.gather [hbm4b:s5+s3], $0x80, v4, vm1, $0xb8;
	[tilespmem:$0x18400] =	vst v63  }
0x196: {  	s31 =	simm.s32 $0x8800  }
0x197: {  	[tilespmem:s31], [sflag:$0x1] =	stream.indirect_vreg.gather [hbm4b:s2+s3], $0x80, v3, vm0, $0xb8;
	[tilespmem:$0x18400] =	vst v63  }
0x198: {  	s31 =	simm.s32 $0x9000  }
0x199: {  	[tilespmem:s31], [sflag:$0x1] =	stream.indirect_vreg.gather [hbm4b:s5+s3], $0x80, v3, vm1, $0xb8;
	[tilespmem:$0x18400] =	vst v63  }
0x19a: {  	v3 =	vld [tilespmem:s29+$0xA0];
	_ =	sdelay $0x4  }
0x19b: {  	v62 =	vshrl.u32 v3, $0x3  }
0x19c: {  	v4 =	vmul.u32 $0x18, v62  }
0x19d: {  	v3 =	vand.u32 $0x7, v3  }
0x19e: {  	v3 =	vor.u32 v3, v4  }
0x19f: {  	v4 =	vperm.xlane v3, v0;
	_ =	sdelay $0x1  }
0x1a0: {  	v4 =	vadd.s32 v1, v4;
	_ =	sdelay $0x1  }
0x1a1: {  	v3 =	vperm.xlane v3, v2;
	_ =	sdelay $0x1  }
0x1a2: {  	s31 =	simm.s32 $0x9400;
	v3 =	vadd.s32 v1, v3  }
0x1a3: {  	[tilespmem:s31], [sflag:$0x1] =	stream.indirect_vreg.gather [hbm4b:s2+s3], $0x80, v4, vm0, $0xb8;
	[tilespmem:$0x18400] =	vst v63  }
0x1a4: {  	s31 =	simm.s32 $0x9C00  }
0x1a5: {  	[tilespmem:s31], [sflag:$0x1] =	stream.indirect_vreg.gather [hbm4b:s5+s3], $0x80, v4, vm1, $0xb8;
	[tilespmem:$0x18400] =	vst v63  }
0x1a6: {  	s31 =	simm.s32 $0xA000  }
0x1a7: {  	[tilespmem:s31], [sflag:$0x1] =	stream.indirect_vreg.gather [hbm4b:s2+s3], $0x80, v3, vm0, $0xb8;
	[tilespmem:$0x18400] =	vst v63  }
0x1a8: {  	s31 =	simm.s32 $0xA800  }
0x1a9: {  	[tilespmem:s31], [sflag:$0x1] =	stream.indirect_vreg.gather [hbm4b:s5+s3], $0x80, v3, vm1, $0xb8;
	[tilespmem:$0x18400] =	vst v63  }
0x1aa: {  	v3 =	vld [tilespmem:s29+$0xB0];
	_ =	sdelay $0x4  }
0x1ab: {  	v63 =	vshrl.u32 v3, $0x3  }
0x1ac: {  	v4 =	vmul.u32 $0x18, v63  }
0x1ad: {  	v3 =	vand.u32 $0x7, v3  }
0x1ae: {  	v3 =	vor.u32 v3, v4  }
0x1af: {  	v4 =	vperm.xlane v3, v0;
	_ =	sdelay $0x1  }
0x1b0: {  	v4 =	vadd.s32 v1, v4;
	_ =	sdelay $0x2  }
0x1b1: {  	v3 =	vperm.xlane v3, v2  }
0x1b2: {  	s31 =	simm.s32 $0xAC00  }
0x1b3: {  	v3 =	vadd.s32 v1, v3;
	[tilespmem:s31], [sflag:$0x1] =	stream.indirect_vreg.gather [hbm4b:s2+s3], $0x80, v4, vm0, $0xb8;
	[tilespmem:$0x18400] =	vst v63  }
0x1b4: {  	s31 =	simm.s32 $0xB400  }
0x1b5: {  	[tilespmem:s31], [sflag:$0x1] =	stream.indirect_vreg.gather [hbm4b:s5+s3], $0x80, v4, vm1, $0xb8;
	[tilespmem:$0x18400] =	vst v63  }
.Ltmp5:
0x1b6: {  	_ = 	snop;
	(pc) =	sbr.rel .LBB2_4-.Ltmp5, $4  }
0x1b7: {  	s31 =	simm.s32 $0xB800  }
0x1b8: {  	[tilespmem:s31], [sflag:$0x1] =	stream.indirect_vreg.gather [hbm4b:s2+s3], $0x80, v3, vm0, $0xb8;
	[tilespmem:$0x18400] =	vst v63  }
0x1b9: {  	s31 =	simm.s32 $0xC000  }
0x1ba: {  	[tilespmem:s31], [sflag:$0x1] =	stream.indirect_vreg.gather [hbm4b:s5+s3], $0x80, v3, vm1, $0xb8;
	[tilespmem:$0x18400] =	vst v63  }
.LBB2_6:
0x1bb: {  	_ =	sfence.sel $0x180000  }
0x1bc: {  	[bflag:$0x0] =	sbarrier.arrive $0xFFFF  }
0x1bd: {  	_ =	strace $0x90000047  }
0x1be: {  	s0 =	stileid.u32;
	[bflag:$0x2] =	sbarrier.arrive $0xFFFF  }
0x1bf: {  	p0 =	sne.s32 s0, $0x0;
	s0 =	rddreg [dreg:$0x2]  }
0x1c0: {  	s0 =	sadd.s32 @!p0 $0x100000, s0  }
0x1c1: {  	[sflag:s0] =	ssyncadd.tile.s32 @!p0 $0x1;
	_ =	shalt  }
.Lfunc_end2:
_tile_overlayer_lowered:
.L_overlay_start_2:
0x1c2: {  	(tag) =	ssettag $0x2  }
0x1c3: {  	s0 =	rddreg [dreg:$0x0];
	s2 =	stileid.u32  }
0x1c4: {  	s1 =	rddreg [dreg:$0x1];
	p0 =	sne.s32 s2, $0x0  }
0x1c5: {  	s3 =	rddreg [dreg:$0x2];
	[bflag:$0x3] =	sbarrier.arrive $0xFFFF;
	s2 =	simm.s32 @!p0 $0x1C05  }
0x1c6: {  	[timem:s3], [sflag:s2] =	dma.local @!p0 [hbm:s0], s1  }
0x1c7: {  	s0 =	simm.s32 @!p0 $0x5  }
0x1c8: {  	_ =	swait.ge @!p0 [sflag:s0], s1  }
0x1c9: {  	s1 =	ssub.s32 @!p0 $0x0, s1;
	[sflag:s0] =	ssyncset.done @!p0 $0x0  }
0x1ca: {  	[sflag:s0] =	ssyncadd.s32 @!p0 s1  }
0x1cb: {  	[bflag:$0x3] =	sbarrier.arrive $0xFFFF  }
0x1cc: {  	_ =	shalt  }

</sc_bundles>
